<compile_context>
chip_gen: v7x
topology: tpu7x:2x2x1
jax: 0.10.2.dev20260603
libtpu: 0.0.44.dev20260713+nightly
codegen_flags: <defaults>
</compile_context>

<pallas_src>
import functools

import jax
import jax.numpy as jnp
from jax import lax
from jax.experimental import pallas as pl
from jax.experimental.pallas import tpu as pltpu
from jax.experimental.pallas import tpu_sc as plsc

B = 128
V = 100000
BT = 96
NSC = B - BT
NW = 32
RPW = max(NSC // NW, 1)
LANES = 16
NTRIO = 5
NVREG = V // (LANES * NTRIO)
NEG = float("-inf")


def _merge_sorted3(a, b, c, a2, b2, c2):
    x1 = jnp.maximum(a, a2)
    y1 = jnp.minimum(a, a2)
    x2 = jnp.maximum(b, b2)
    y2 = jnp.minimum(b, b2)
    x3 = jnp.maximum(c, c2)
    m2 = jnp.maximum(y1, x2)
    m3 = jnp.maximum(jnp.minimum(y1, x2), jnp.maximum(y2, x3))
    return x1, m2, m3


def _make_sc_call():
    mesh = plsc.VectorSubcoreMesh(core_axis_name="c", subcore_axis_name="s")

    @functools.partial(
        pl.kernel,
        mesh=mesh,
        compiler_params=pltpu.CompilerParams(needs_layout_passes=False),
        out_type=jax.ShapeDtypeStruct((NW, LANES), jnp.float32),
        scratch_types=[
            pltpu.VMEM((V,), jnp.float32),
            pltpu.VMEM((LANES,), jnp.int32),
            pltpu.VMEM((LANES,), jnp.float32),
            pltpu.VMEM((LANES,), jnp.float32),
            pltpu.VMEM((LANES,), jnp.float32),
            pltpu.VMEM((LANES,), jnp.float32),
        ],
    )
    def dlr_loss_sc(logits_hbm, ypad_hbm, out_hbm, buf, yv, av, bv, cv, outv):
        wid = lax.axis_index("s") * 2 + lax.axis_index("c")
        pltpu.sync_copy(ypad_hbm.at[wid], yv)
        yvec = yv[...]
        iota = lax.iota(jnp.int32, LANES)
        out_acc = jnp.zeros((LANES,), jnp.float32)
        ninf = jnp.full((LANES,), NEG, dtype=jnp.float32)
        for r in range(RPW):
            row = BT + wid * RPW + r
            pltpu.sync_copy(logits_hbm.at[row], buf)

            def body(j, carry):
                new = []
                base = j * (LANES * NTRIO)
                for t in range(NTRIO):
                    a, b, c = carry[3 * t:3 * t + 3]
                    x = buf[pl.ds(base + t * LANES, LANES)]
                    a2 = jnp.maximum(a, x)
                    tt = jnp.minimum(a, x)
                    b2 = jnp.maximum(b, tt)
                    tt2 = jnp.minimum(b, tt)
                    c2 = jnp.maximum(c, tt2)
                    new += [a2, b2, c2]
                return tuple(new)

            trios = lax.fori_loop(0, NVREG, body, (ninf,) * (3 * NTRIO),
                                  unroll=2)
            a, b, c = trios[0:3]
            for t in range(1, NTRIO):
                a, b, c = _merge_sorted3(a, b, c, *trios[3 * t:3 * t + 3])
            for off in (8, 4, 2, 1):
                av[...] = a
                bv[...] = b
                cv[...] = c
                ix = jnp.bitwise_xor(iota, off)
                a_s = plsc.load_gather(av, [ix])
                b_s = plsc.load_gather(bv, [ix])
                c_s = plsc.load_gather(cv, [ix])
                a, b, c = _merge_sorted3(a, b, c, a_s, b_s, c_s)
            zy = plsc.load_gather(buf, [yvec])
            z_other = jnp.where((zy == a) & (b < a), b, a)
            scale = a - c + jnp.float32(1e-12)
            loss_vec = -(zy - z_other) / scale
            out_acc = jnp.where(iota == r, loss_vec, out_acc)
        outv[...] = out_acc
        pltpu.sync_copy(outv, out_hbm.at[wid])

    return dlr_loss_sc


TCRB = 16
TCW = 12544
TCNC = 8
TCPAD = TCNC * TCW


def _tc_body(x_ref, y_ref, o_ref):
    ycol = y_ref[:, 0:1]
    ninf = jnp.full((TCRB, TCW), NEG, dtype=jnp.float32)
    ci0 = lax.broadcasted_iota(jnp.int32, (TCRB, TCW), 1)
    a = b = c = zacc = ninf
    for k in range(TCNC):
        x = x_ref[:, pl.ds(k * TCW, TCW)]
        if k == TCNC - 1:
            x = jnp.where(ci0 < V - k * TCW, x, jnp.float32(NEG))
        zacc = jnp.where(ci0 == ycol - k * TCW, x, zacc)
        a, t = jnp.maximum(a, x), jnp.minimum(a, x)
        b, t2 = jnp.maximum(b, t), jnp.minimum(b, t)
        c = jnp.maximum(c, t2)
    zy = jnp.max(zacc, axis=1, keepdims=True)
    h = TCW // 2
    a, b, c = _merge_sorted3(
        a[:, :h], b[:, :h], c[:, :h], a[:, h:], b[:, h:], c[:, h:])
    ci0 = lax.broadcasted_iota(jnp.int32, (TCRB, h), 1)
    cnt = jnp.zeros((TCRB, h), jnp.int32)
    ms = []
    for _ in range(3):
        cur = jnp.where(cnt == 0, a, jnp.where(cnt == 1, b, c))
        m = jnp.max(cur, axis=1, keepdims=True)
        pos = jnp.min(jnp.where(cur == m, ci0, h), axis=1, keepdims=True)
        cnt = cnt + jnp.where(ci0 == pos, 1, 0)
        ms.append(m)
    t1, t2, t3 = ms
    z_other = jnp.where((zy == t1) & (t2 < t1), t2, t1)
    loss = -(zy - z_other) / (t1 - t3 + jnp.float32(1e-12))
    o_ref[...] = jnp.broadcast_to(loss, (TCRB, 8))


def _make_tc_call():
    return pl.pallas_call(
        _tc_body,
        grid=(BT // TCRB,),
        in_specs=[
            pl.BlockSpec((TCRB, TCPAD), lambda i: (i, 0)),
            pl.BlockSpec((TCRB, 8), lambda i: (i, 0)),
        ],
        out_specs=pl.BlockSpec((TCRB, 8), lambda i: (i, 0)),
        out_shape=jax.ShapeDtypeStruct((BT, 8), jnp.float32),
    )


_sc_call = _make_sc_call()
_tc_call = _make_tc_call()


def kernel(logits, y_true):
    y32 = y_true.astype(jnp.int32)
    ypad = jnp.zeros((NW, LANES), jnp.int32).at[:, :RPW].set(
        y32[BT:].reshape(NW, RPW))
    out_sc = _sc_call(logits, ypad)
    ybc = jnp.broadcast_to(y32[:BT, None], (BT, 8))
    loss_tc = _tc_call(logits, ybc)[:, 0]
    loss_sc = out_sc[:, :RPW].reshape(NSC)
    return jnp.concatenate([loss_tc, loss_sc])

# --- scband reference (transcript-rebuilt; emitter-appended) ---
"""Pipeline reference for scband-dlr-loss-11579231830798 (READ-ONLY COPY).

The authoritative reference and input builder live on the scoring server;
editing this copy changes nothing except your own understanding.
"""

import jax, jax.numpy as jnp
import numpy as np

B = 128
V = 100000

def setup_inputs(seed: int = 0) -> dict:
    key = jax.random.key(seed)
    k1, k2 = jax.random.split(key)
    logits = jax.random.normal(k1, (B, V), dtype=jnp.float32)
    y_true = jax.random.randint(k2, (B,), 0, V, dtype=jnp.int64)
    return {"logits": logits, "y_true": y_true}

def reference(logits, y_true):
    # sort descending along class dim
    sorted_logits = jnp.sort(logits, axis=1)[:, ::-1]
    z_pi_1 = sorted_logits[:, 0]
    z_pi_3 = sorted_logits[:, 2]
    scale = z_pi_1 - z_pi_3 + 1e-12
    # gather true-class logit
    z_y = jnp.take_along_axis(logits, y_true.reshape(-1, 1), axis=1).reshape(-1)
    # scatter -inf at true class, then take max over the rest
    rows = jnp.arange(logits.shape[0])
    logits_masked = logits.at[rows, y_true].set(-jnp.inf)
    z_other_max = jnp.max(logits_masked, axis=1)
    loss = -(z_y - z_other_max) / scale
    return loss

if __name__ == "__main__":
    import jax
    _d = setup_inputs()
    print(jax.jit(kernel)(*tuple(_d.values())))

</pallas_src>

<mosaic_0001>
#map = affine_map<(d0, d1) -> (0, 0)>
module attributes {stable_mosaic.version = 14 : i64} {
  func.func @dlr_loss_sc(%arg0: i32, %arg1: i32, %arg2: memref<128x100000xf32, #tpu.memory_space<hbm>>, %arg3: memref<32x16xi32, #tpu.memory_space<hbm>>, %arg4: memref<32x16xf32, #tpu.memory_space<hbm>>, %arg5: memref<100000xf32, #tpu.memory_space<vmem>>, %arg6: memref<16xi32, #tpu.memory_space<vmem>>, %arg7: memref<16xf32, #tpu.memory_space<vmem>>, %arg8: memref<16xf32, #tpu.memory_space<vmem>>, %arg9: memref<16xf32, #tpu.memory_space<vmem>>, %arg10: memref<16xf32, #tpu.memory_space<vmem>>) attributes {dimension_semantics = [#tpu.dimension_semantics<core_parallel>, #tpu.dimension_semantics<subcore_parallel>], iteration_bounds = array<i64: 2, 16>, scalar_prefetch = 0 : i64, scratch_operands = 6 : i64, tpu.core_type = #tpu.core_type<sc_vector_subcore>, window_params = [{transform_indices = #map}, {transform_indices = #map}, {transform_indices = #map}]} {
    %mul3A = arith.constant 2 : i32
    %mul3A_0 = arith.muli %arg1, %mul3A : i32
    %add3A = arith.addi %mul3A_0, %arg0 : i32
    "tpu.region"() ({
      %run_scoped3A = tpu.sem_alloc : memref<!tpu.dma_semaphore, #tpu.memory_space<semaphore_mem>>
      %dma_start3A = arith.constant 0 : i32
      %dma_start3A_144 = tpu.memref_slice %arg3[%add3A, %dma_start3A] : memref<32x16xi32, #tpu.memory_space<hbm>> -> memref<1x16xi32, #tpu.memory_space<hbm>>
      %dma_start3A_145 = tpu.memref_squeeze %dma_start3A_144 : memref<1x16xi32, #tpu.memory_space<hbm>> -> memref<16xi32, #tpu.memory_space<hbm>>
      %dma_start3A_146 = arith.constant 0 : i32
      %dma_start3A_147 = tpu.memref_slice %arg3[%add3A, %dma_start3A_146] : memref<32x16xi32, #tpu.memory_space<hbm>> -> memref<1x16xi32, #tpu.memory_space<hbm>>
      %dma_start3A_148 = tpu.memref_squeeze %dma_start3A_147 : memref<1x16xi32, #tpu.memory_space<hbm>> -> memref<16xi32, #tpu.memory_space<hbm>>
      tpu.enqueue_dma source(%dma_start3A_148 : memref<16xi32, #tpu.memory_space<hbm>>) target(%arg6 : memref<16xi32, #tpu.memory_space<vmem>>) target_semaphore(%run_scoped3A : memref<!tpu.dma_semaphore, #tpu.memory_space<semaphore_mem>>)
      %dma_wait3A = arith.constant 0 : i32
      %dma_wait3A_149 = tpu.memref_slice %arg3[%add3A, %dma_wait3A] : memref<32x16xi32, #tpu.memory_space<hbm>> -> memref<1x16xi32, #tpu.memory_space<hbm>>
      %dma_wait3A_150 = tpu.memref_squeeze %dma_wait3A_149 : memref<1x16xi32, #tpu.memory_space<hbm>> -> memref<16xi32, #tpu.memory_space<hbm>>
      %dma_wait3A_151 = arith.constant 0 : i32
      %dma_wait3A_152 = tpu.memref_slice %arg3[%add3A, %dma_wait3A_151] : memref<32x16xi32, #tpu.memory_space<hbm>> -> memref<1x16xi32, #tpu.memory_space<hbm>>
      %dma_wait3A_153 = tpu.memref_squeeze %dma_wait3A_152 : memref<1x16xi32, #tpu.memory_space<hbm>> -> memref<16xi32, #tpu.memory_space<hbm>>
      tpu.wait_dma2 semaphore(%run_scoped3A : memref<!tpu.dma_semaphore, #tpu.memory_space<semaphore_mem>>) src(%dma_wait3A_153 : memref<16xi32, #tpu.memory_space<hbm>>) dst(%arg6 : memref<16xi32, #tpu.memory_space<vmem>>)
      tpu.yield
    }) : () -> ()
    %get3A = arith.constant 0 : index
    %get3A_1 = tpu.vector_load %arg6[%get3A] {strides = array<i32>} : memref<16xi32, #tpu.memory_space<vmem>>, vector<16xi32>,
    %iota3A = tpu.iota {dimensions = array<i32: 0>} : vector<16xi32>
    %broadcast_in_dim3A = arith.constant 0.000000e+00 : f32
    %broadcast_in_dim3A_2 = vector.broadcast %broadcast_in_dim3A : f32 to vector<16xf32>
    %broadcast_in_dim3A_3 = arith.constant 0xFF800000 : f32
    %broadcast_in_dim3A_4 = vector.broadcast %broadcast_in_dim3A_3 : f32 to vector<16xf32>
    %mul3A_5 = arith.constant 1 : i32
    %mul3A_6 = arith.muli %add3A, %mul3A_5 : i32
    %add3A_7 = arith.constant 96 : i32
    %add3A_8 = arith.addi %add3A_7, %mul3A_6 : i32
    %add3A_9 = arith.constant 0 : i32
    %add3A_10 = arith.addi %add3A_8, %add3A_9 : i32
    "tpu.region"() ({
      %run_scoped3A = tpu.sem_alloc : memref<!tpu.dma_semaphore, #tpu.memory_space<semaphore_mem>>
      %dma_start3A = arith.constant 0 : i32
      %dma_start3A_144 = tpu.memref_slice %arg2[%add3A_10, %dma_start3A] : memref<128x100000xf32, #tpu.memory_space<hbm>> -> memref<1x100000xf32, #tpu.memory_space<hbm>>
      %dma_start3A_145 = tpu.memref_squeeze %dma_start3A_144 : memref<1x100000xf32, #tpu.memory_space<hbm>> -> memref<100000xf32, #tpu.memory_space<hbm>>
      %dma_start3A_146 = arith.constant 0 : i32
      %dma_start3A_147 = tpu.memref_slice %arg2[%add3A_10, %dma_start3A_146] : memref<128x100000xf32, #tpu.memory_space<hbm>> -> memref<1x100000xf32, #tpu.memory_space<hbm>>
      %dma_start3A_148 = tpu.memref_squeeze %dma_start3A_147 : memref<1x100000xf32, #tpu.memory_space<hbm>> -> memref<100000xf32, #tpu.memory_space<hbm>>
      tpu.enqueue_dma source(%dma_start3A_148 : memref<100000xf32, #tpu.memory_space<hbm>>) target(%arg5 : memref<100000xf32, #tpu.memory_space<vmem>>) target_semaphore(%run_scoped3A : memref<!tpu.dma_semaphore, #tpu.memory_space<semaphore_mem>>)
      %dma_wait3A = arith.constant 0 : i32
      %dma_wait3A_149 = tpu.memref_slice %arg2[%add3A_10, %dma_wait3A] : memref<128x100000xf32, #tpu.memory_space<hbm>> -> memref<1x100000xf32, #tpu.memory_space<hbm>>
      %dma_wait3A_150 = tpu.memref_squeeze %dma_wait3A_149 : memref<1x100000xf32, #tpu.memory_space<hbm>> -> memref<100000xf32, #tpu.memory_space<hbm>>
      %dma_wait3A_151 = arith.constant 0 : i32
      %dma_wait3A_152 = tpu.memref_slice %arg2[%add3A_10, %dma_wait3A_151] : memref<128x100000xf32, #tpu.memory_space<hbm>> -> memref<1x100000xf32, #tpu.memory_space<hbm>>
      %dma_wait3A_153 = tpu.memref_squeeze %dma_wait3A_152 : memref<1x100000xf32, #tpu.memory_space<hbm>> -> memref<100000xf32, #tpu.memory_space<hbm>>
      tpu.wait_dma2 semaphore(%run_scoped3A : memref<!tpu.dma_semaphore, #tpu.memory_space<semaphore_mem>>) src(%dma_wait3A_153 : memref<100000xf32, #tpu.memory_space<hbm>>) dst(%arg5 : memref<100000xf32, #tpu.memory_space<vmem>>)
      tpu.yield
    }) : () -> ()
    %scan3A = arith.constant 0 : i32
    %scan3A_11 = arith.constant 1250 : i32
    %scan3A_12 = arith.addi %scan3A, %scan3A_11 : i32
    %scan3A_13 = arith.constant 2 : i32
    %scan3A_14:15 = scf.for %scan3A_144 = %scan3A to %scan3A_12 step %scan3A_13 iter_args(%scan3A_145 = %broadcast_in_dim3A_4, %scan3A_146 = %broadcast_in_dim3A_4, %scan3A_147 = %broadcast_in_dim3A_4, %scan3A_148 = %broadcast_in_dim3A_4, %scan3A_149 = %broadcast_in_dim3A_4, %scan3A_150 = %broadcast_in_dim3A_4, %scan3A_151 = %broadcast_in_dim3A_4, %scan3A_152 = %broadcast_in_dim3A_4, %scan3A_153 = %broadcast_in_dim3A_4, %scan3A_154 = %broadcast_in_dim3A_4, %scan3A_155 = %broadcast_in_dim3A_4, %scan3A_156 = %broadcast_in_dim3A_4, %scan3A_157 = %broadcast_in_dim3A_4, %scan3A_158 = %broadcast_in_dim3A_4, %scan3A_159 = %broadcast_in_dim3A_4) -> (vector<16xf32>, vector<16xf32>, vector<16xf32>, vector<16xf32>, vector<16xf32>, vector<16xf32>, vector<16xf32>, vector<16xf32>, vector<16xf32>, vector<16xf32>, vector<16xf32>, vector<16xf32>, vector<16xf32>, vector<16xf32>, vector<16xf32>)  : i32 {
      %mul3A_160 = arith.constant 80 : i32
      %mul3A_161 = arith.muli %scan3A_144, %mul3A_160 : i32
      %add3A_162 = arith.constant 0 : i32
      %add3A_163 = arith.addi %mul3A_161, %add3A_162 : i32
      %get3A_164 = arith.index_cast %add3A_163 : i32 to index
      %get3A_165 = tpu.vector_load %arg5[%get3A_164] {strides = array<i32>} : memref<100000xf32, #tpu.memory_space<vmem>>, vector<16xf32>,
      %max3A_166 = arith.maximumf %scan3A_145, %get3A_165 : vector<16xf32>
      %min3A_167 = arith.minimumf %scan3A_145, %get3A_165 : vector<16xf32>
      %max3A_168 = arith.maximumf %scan3A_146, %min3A_167 : vector<16xf32>
      %min3A_169 = arith.minimumf %scan3A_146, %min3A_167 : vector<16xf32>
      %max3A_170 = arith.maximumf %scan3A_147, %min3A_169 : vector<16xf32>
      %add3A_171 = arith.constant 16 : i32
      %add3A_172 = arith.addi %mul3A_161, %add3A_171 : i32
      %get3A_173 = arith.index_cast %add3A_172 : i32 to index
      %get3A_174 = tpu.vector_load %arg5[%get3A_173] {strides = array<i32>} : memref<100000xf32, #tpu.memory_space<vmem>>, vector<16xf32>,
      %max3A_175 = arith.maximumf %scan3A_148, %get3A_174 : vector<16xf32>
      %min3A_176 = arith.minimumf %scan3A_148, %get3A_174 : vector<16xf32>
      %max3A_177 = arith.maximumf %scan3A_149, %min3A_176 : vector<16xf32>
      %min3A_178 = arith.minimumf %scan3A_149, %min3A_176 : vector<16xf32>
      %max3A_179 = arith.maximumf %scan3A_150, %min3A_178 : vector<16xf32>
      %add3A_180 = arith.constant 32 : i32
      %add3A_181 = arith.addi %mul3A_161, %add3A_180 : i32
      %get3A_182 = arith.index_cast %add3A_181 : i32 to index
      %get3A_183 = tpu.vector_load %arg5[%get3A_182] {strides = array<i32>} : memref<100000xf32, #tpu.memory_space<vmem>>, vector<16xf32>,
      %max3A_184 = arith.maximumf %scan3A_151, %get3A_183 : vector<16xf32>
      %min3A_185 = arith.minimumf %scan3A_151, %get3A_183 : vector<16xf32>
      %max3A_186 = arith.maximumf %scan3A_152, %min3A_185 : vector<16xf32>
      %min3A_187 = arith.minimumf %scan3A_152, %min3A_185 : vector<16xf32>
      %max3A_188 = arith.maximumf %scan3A_153, %min3A_187 : vector<16xf32>
      %add3A_189 = arith.constant 48 : i32
      %add3A_190 = arith.addi %mul3A_161, %add3A_189 : i32
      %get3A_191 = arith.index_cast %add3A_190 : i32 to index
      %get3A_192 = tpu.vector_load %arg5[%get3A_191] {strides = array<i32>} : memref<100000xf32, #tpu.memory_space<vmem>>, vector<16xf32>,
      %max3A_193 = arith.maximumf %scan3A_154, %get3A_192 : vector<16xf32>
      %min3A_194 = arith.minimumf %scan3A_154, %get3A_192 : vector<16xf32>
      %max3A_195 = arith.maximumf %scan3A_155, %min3A_194 : vector<16xf32>
      %min3A_196 = arith.minimumf %scan3A_155, %min3A_194 : vector<16xf32>
      %max3A_197 = arith.maximumf %scan3A_156, %min3A_196 : vector<16xf32>
      %add3A_198 = arith.constant 64 : i32
      %add3A_199 = arith.addi %mul3A_161, %add3A_198 : i32
      %get3A_200 = arith.index_cast %add3A_199 : i32 to index
      %get3A_201 = tpu.vector_load %arg5[%get3A_200] {strides = array<i32>} : memref<100000xf32, #tpu.memory_space<vmem>>, vector<16xf32>,
      %max3A_202 = arith.maximumf %scan3A_157, %get3A_201 : vector<16xf32>
      %min3A_203 = arith.minimumf %scan3A_157, %get3A_201 : vector<16xf32>
      %max3A_204 = arith.maximumf %scan3A_158, %min3A_203 : vector<16xf32>
      %min3A_205 = arith.minimumf %scan3A_158, %min3A_203 : vector<16xf32>
      %max3A_206 = arith.maximumf %scan3A_159, %min3A_205 : vector<16xf32>
      %scan3A_207 = arith.constant 1 : i32
      %scan3A_208 = arith.addi %scan3A_144, %scan3A_207 : i32
      %mul3A_209 = arith.constant 80 : i32
      %mul3A_210 = arith.muli %scan3A_208, %mul3A_209 : i32
      %add3A_211 = arith.constant 0 : i32
      %add3A_212 = arith.addi %mul3A_210, %add3A_211 : i32
      %get3A_213 = arith.index_cast %add3A_212 : i32 to index
      %get3A_214 = tpu.vector_load %arg5[%get3A_213] {strides = array<i32>} : memref<100000xf32, #tpu.memory_space<vmem>>, vector<16xf32>,
      %max3A_215 = arith.maximumf %max3A_166, %get3A_214 : vector<16xf32>
      %min3A_216 = arith.minimumf %max3A_166, %get3A_214 : vector<16xf32>
      %max3A_217 = arith.maximumf %max3A_168, %min3A_216 : vector<16xf32>
      %min3A_218 = arith.minimumf %max3A_168, %min3A_216 : vector<16xf32>
      %max3A_219 = arith.maximumf %max3A_170, %min3A_218 : vector<16xf32>
      %add3A_220 = arith.constant 16 : i32
      %add3A_221 = arith.addi %mul3A_210, %add3A_220 : i32
      %get3A_222 = arith.index_cast %add3A_221 : i32 to index
      %get3A_223 = tpu.vector_load %arg5[%get3A_222] {strides = array<i32>} : memref<100000xf32, #tpu.memory_space<vmem>>, vector<16xf32>,
      %max3A_224 = arith.maximumf %max3A_175, %get3A_223 : vector<16xf32>
      %min3A_225 = arith.minimumf %max3A_175, %get3A_223 : vector<16xf32>
      %max3A_226 = arith.maximumf %max3A_177, %min3A_225 : vector<16xf32>
      %min3A_227 = arith.minimumf %max3A_177, %min3A_225 : vector<16xf32>
      %max3A_228 = arith.maximumf %max3A_179, %min3A_227 : vector<16xf32>
      %add3A_229 = arith.constant 32 : i32
      %add3A_230 = arith.addi %mul3A_210, %add3A_229 : i32
      %get3A_231 = arith.index_cast %add3A_230 : i32 to index
      %get3A_232 = tpu.vector_load %arg5[%get3A_231] {strides = array<i32>} : memref<100000xf32, #tpu.memory_space<vmem>>, vector<16xf32>,
      %max3A_233 = arith.maximumf %max3A_184, %get3A_232 : vector<16xf32>
      %min3A_234 = arith.minimumf %max3A_184, %get3A_232 : vector<16xf32>
      %max3A_235 = arith.maximumf %max3A_186, %min3A_234 : vector<16xf32>
      %min3A_236 = arith.minimumf %max3A_186, %min3A_234 : vector<16xf32>
      %max3A_237 = arith.maximumf %max3A_188, %min3A_236 : vector<16xf32>
      %add3A_238 = arith.constant 48 : i32
      %add3A_239 = arith.addi %mul3A_210, %add3A_238 : i32
      %get3A_240 = arith.index_cast %add3A_239 : i32 to index
      %get3A_241 = tpu.vector_load %arg5[%get3A_240] {strides = array<i32>} : memref<100000xf32, #tpu.memory_space<vmem>>, vector<16xf32>,
      %max3A_242 = arith.maximumf %max3A_193, %get3A_241 : vector<16xf32>
      %min3A_243 = arith.minimumf %max3A_193, %get3A_241 : vector<16xf32>
      %max3A_244 = arith.maximumf %max3A_195, %min3A_243 : vector<16xf32>
      %min3A_245 = arith.minimumf %max3A_195, %min3A_243 : vector<16xf32>
      %max3A_246 = arith.maximumf %max3A_197, %min3A_245 : vector<16xf32>
      %add3A_247 = arith.constant 64 : i32
      %add3A_248 = arith.addi %mul3A_210, %add3A_247 : i32
      %get3A_249 = arith.index_cast %add3A_248 : i32 to index
      %get3A_250 = tpu.vector_load %arg5[%get3A_249] {strides = array<i32>} : memref<100000xf32, #tpu.memory_space<vmem>>, vector<16xf32>,
      %max3A_251 = arith.maximumf %max3A_202, %get3A_250 : vector<16xf32>
      %min3A_252 = arith.minimumf %max3A_202, %get3A_250 : vector<16xf32>
      %max3A_253 = arith.maximumf %max3A_204, %min3A_252 : vector<16xf32>
      %min3A_254 = arith.minimumf %max3A_204, %min3A_252 : vector<16xf32>
      %max3A_255 = arith.maximumf %max3A_206, %min3A_254 : vector<16xf32>
      scf.yield %max3A_215, %max3A_217, %max3A_219, %max3A_224, %max3A_226, %max3A_228, %max3A_233, %max3A_235, %max3A_237, %max3A_242, %max3A_244, %max3A_246, %max3A_251, %max3A_253, %max3A_255 : vector<16xf32>, vector<16xf32>, vector<16xf32>, vector<16xf32>, vector<16xf32>, vector<16xf32>, vector<16xf32>, vector<16xf32>, vector<16xf32>, vector<16xf32>, vector<16xf32>, vector<16xf32>, vector<16xf32>, vector<16xf32>, vector<16xf32>
    }
    %scan3A_15 = arith.constant 1250 : i32
    %max3A = arith.maximumf %scan3A_14#0, %scan3A_14#3 : vector<16xf32>
    %min3A = arith.minimumf %scan3A_14#0, %scan3A_14#3 : vector<16xf32>
    %max3A_16 = arith.maximumf %scan3A_14#1, %scan3A_14#4 : vector<16xf32>
    %min3A_17 = arith.minimumf %scan3A_14#1, %scan3A_14#4 : vector<16xf32>
    %max3A_18 = arith.maximumf %scan3A_14#2, %scan3A_14#5 : vector<16xf32>
    %max3A_19 = arith.maximumf %min3A, %max3A_16 : vector<16xf32>
    %min3A_20 = arith.minimumf %min3A, %max3A_16 : vector<16xf32>
    %max3A_21 = arith.maximumf %min3A_17, %max3A_18 : vector<16xf32>
    %max3A_22 = arith.maximumf %min3A_20, %max3A_21 : vector<16xf32>
    %max3A_23 = arith.maximumf %max3A, %scan3A_14#6 : vector<16xf32>
    %min3A_24 = arith.minimumf %max3A, %scan3A_14#6 : vector<16xf32>
    %max3A_25 = arith.maximumf %max3A_19, %scan3A_14#7 : vector<16xf32>
    %min3A_26 = arith.minimumf %max3A_19, %scan3A_14#7 : vector<16xf32>
    %max3A_27 = arith.maximumf %max3A_22, %scan3A_14#8 : vector<16xf32>
    %max3A_28 = arith.maximumf %min3A_24, %max3A_25 : vector<16xf32>
    %min3A_29 = arith.minimumf %min3A_24, %max3A_25 : vector<16xf32>
    %max3A_30 = arith.maximumf %min3A_26, %max3A_27 : vector<16xf32>
    %max3A_31 = arith.maximumf %min3A_29, %max3A_30 : vector<16xf32>
    %max3A_32 = arith.maximumf %max3A_23, %scan3A_14#9 : vector<16xf32>
    %min3A_33 = arith.minimumf %max3A_23, %scan3A_14#9 : vector<16xf32>
    %max3A_34 = arith.maximumf %max3A_28, %scan3A_14#10 : vector<16xf32>
    %min3A_35 = arith.minimumf %max3A_28, %scan3A_14#10 : vector<16xf32>
    %max3A_36 = arith.maximumf %max3A_31, %scan3A_14#11 : vector<16xf32>
    %max3A_37 = arith.maximumf %min3A_33, %max3A_34 : vector<16xf32>
    %min3A_38 = arith.minimumf %min3A_33, %max3A_34 : vector<16xf32>
    %max3A_39 = arith.maximumf %min3A_35, %max3A_36 : vector<16xf32>
    %max3A_40 = arith.maximumf %min3A_38, %max3A_39 : vector<16xf32>
    %max3A_41 = arith.maximumf %max3A_32, %scan3A_14#12 : vector<16xf32>
    %min3A_42 = arith.minimumf %max3A_32, %scan3A_14#12 : vector<16xf32>
    %max3A_43 = arith.maximumf %max3A_37, %scan3A_14#13 : vector<16xf32>
    %min3A_44 = arith.minimumf %max3A_37, %scan3A_14#13 : vector<16xf32>
    %max3A_45 = arith.maximumf %max3A_40, %scan3A_14#14 : vector<16xf32>
    %max3A_46 = arith.maximumf %min3A_42, %max3A_43 : vector<16xf32>
    %min3A_47 = arith.minimumf %min3A_42, %max3A_43 : vector<16xf32>
    %max3A_48 = arith.maximumf %min3A_44, %max3A_45 : vector<16xf32>
    %max3A_49 = arith.maximumf %min3A_47, %max3A_48 : vector<16xf32>
    %swap3A = arith.constant 0 : index
    %swap3A_50 = tpu.vector_load %arg7[%swap3A] {strides = array<i32>} : memref<16xf32, #tpu.memory_space<vmem>>, vector<16xf32>,
    tpu.vector_store %arg7[%swap3A], %max3A_41 {strides = array<i32>} : memref<16xf32, #tpu.memory_space<vmem>>, vector<16xf32>,
    %swap3A_51 = arith.constant 0 : index
    %swap3A_52 = tpu.vector_load %arg8[%swap3A_51] {strides = array<i32>} : memref<16xf32, #tpu.memory_space<vmem>>, vector<16xf32>,
    tpu.vector_store %arg8[%swap3A_51], %max3A_46 {strides = array<i32>} : memref<16xf32, #tpu.memory_space<vmem>>, vector<16xf32>,
    %swap3A_53 = arith.constant 0 : index
    %swap3A_54 = tpu.vector_load %arg9[%swap3A_53] {strides = array<i32>} : memref<16xf32, #tpu.memory_space<vmem>>, vector<16xf32>,
    tpu.vector_store %arg9[%swap3A_53], %max3A_49 {strides = array<i32>} : memref<16xf32, #tpu.memory_space<vmem>>, vector<16xf32>,
    %xor3A = arith.constant 8 : i32
    %xor3A_55 = vector.broadcast %xor3A : i32 to vector<16xi32>
    %xor3A_56 = arith.xori %iota3A, %xor3A_55 : vector<16xi32>
    %gather3A = tpu.vector_load_idx %arg7[%xor3A_56] : memref<16xf32, #tpu.memory_space<vmem>>[vector<16xi32>], vector<16xf32>,
    %gather3A_57 = tpu.vector_load_idx %arg8[%xor3A_56] : memref<16xf32, #tpu.memory_space<vmem>>[vector<16xi32>], vector<16xf32>,
    %gather3A_58 = tpu.vector_load_idx %arg9[%xor3A_56] : memref<16xf32, #tpu.memory_space<vmem>>[vector<16xi32>], vector<16xf32>,
    %max3A_59 = arith.maximumf %max3A_41, %gather3A : vector<16xf32>
    %min3A_60 = arith.minimumf %max3A_41, %gather3A : vector<16xf32>
    %max3A_61 = arith.maximumf %max3A_46, %gather3A_57 : vector<16xf32>
    %min3A_62 = arith.minimumf %max3A_46, %gather3A_57 : vector<16xf32>
    %max3A_63 = arith.maximumf %max3A_49, %gather3A_58 : vector<16xf32>
    %max3A_64 = arith.maximumf %min3A_60, %max3A_61 : vector<16xf32>
    %min3A_65 = arith.minimumf %min3A_60, %max3A_61 : vector<16xf32>
    %max3A_66 = arith.maximumf %min3A_62, %max3A_63 : vector<16xf32>
    %max3A_67 = arith.maximumf %min3A_65, %max3A_66 : vector<16xf32>
    %swap3A_68 = arith.constant 0 : index
    %swap3A_69 = tpu.vector_load %arg7[%swap3A_68] {strides = array<i32>} : memref<16xf32, #tpu.memory_space<vmem>>, vector<16xf32>,
    tpu.vector_store %arg7[%swap3A_68], %max3A_59 {strides = array<i32>} : memref<16xf32, #tpu.memory_space<vmem>>, vector<16xf32>,
    %swap3A_70 = arith.constant 0 : index
    %swap3A_71 = tpu.vector_load %arg8[%swap3A_70] {strides = array<i32>} : memref<16xf32, #tpu.memory_space<vmem>>, vector<16xf32>,
    tpu.vector_store %arg8[%swap3A_70], %max3A_64 {strides = array<i32>} : memref<16xf32, #tpu.memory_space<vmem>>, vector<16xf32>,
    %swap3A_72 = arith.constant 0 : index
    %swap3A_73 = tpu.vector_load %arg9[%swap3A_72] {strides = array<i32>} : memref<16xf32, #tpu.memory_space<vmem>>, vector<16xf32>,
    tpu.vector_store %arg9[%swap3A_72], %max3A_67 {strides = array<i32>} : memref<16xf32, #tpu.memory_space<vmem>>, vector<16xf32>,
    %xor3A_74 = arith.constant 4 : i32
    %xor3A_75 = vector.broadcast %xor3A_74 : i32 to vector<16xi32>
    %xor3A_76 = arith.xori %iota3A, %xor3A_75 : vector<16xi32>
    %gather3A_77 = tpu.vector_load_idx %arg7[%xor3A_76] : memref<16xf32, #tpu.memory_space<vmem>>[vector<16xi32>], vector<16xf32>,
    %gather3A_78 = tpu.vector_load_idx %arg8[%xor3A_76] : memref<16xf32, #tpu.memory_space<vmem>>[vector<16xi32>], vector<16xf32>,
    %gather3A_79 = tpu.vector_load_idx %arg9[%xor3A_76] : memref<16xf32, #tpu.memory_space<vmem>>[vector<16xi32>], vector<16xf32>,
    %max3A_80 = arith.maximumf %max3A_59, %gather3A_77 : vector<16xf32>
    %min3A_81 = arith.minimumf %max3A_59, %gather3A_77 : vector<16xf32>
    %max3A_82 = arith.maximumf %max3A_64, %gather3A_78 : vector<16xf32>
    %min3A_83 = arith.minimumf %max3A_64, %gather3A_78 : vector<16xf32>
    %max3A_84 = arith.maximumf %max3A_67, %gather3A_79 : vector<16xf32>
    %max3A_85 = arith.maximumf %min3A_81, %max3A_82 : vector<16xf32>
    %min3A_86 = arith.minimumf %min3A_81, %max3A_82 : vector<16xf32>
    %max3A_87 = arith.maximumf %min3A_83, %max3A_84 : vector<16xf32>
    %max3A_88 = arith.maximumf %min3A_86, %max3A_87 : vector<16xf32>
    %swap3A_89 = arith.constant 0 : index
    %swap3A_90 = tpu.vector_load %arg7[%swap3A_89] {strides = array<i32>} : memref<16xf32, #tpu.memory_space<vmem>>, vector<16xf32>,
    tpu.vector_store %arg7[%swap3A_89], %max3A_80 {strides = array<i32>} : memref<16xf32, #tpu.memory_space<vmem>>, vector<16xf32>,
    %swap3A_91 = arith.constant 0 : index
    %swap3A_92 = tpu.vector_load %arg8[%swap3A_91] {strides = array<i32>} : memref<16xf32, #tpu.memory_space<vmem>>, vector<16xf32>,
    tpu.vector_store %arg8[%swap3A_91], %max3A_85 {strides = array<i32>} : memref<16xf32, #tpu.memory_space<vmem>>, vector<16xf32>,
    %swap3A_93 = arith.constant 0 : index
    %swap3A_94 = tpu.vector_load %arg9[%swap3A_93] {strides = array<i32>} : memref<16xf32, #tpu.memory_space<vmem>>, vector<16xf32>,
    tpu.vector_store %arg9[%swap3A_93], %max3A_88 {strides = array<i32>} : memref<16xf32, #tpu.memory_space<vmem>>, vector<16xf32>,
    %xor3A_95 = arith.constant 2 : i32
    %xor3A_96 = vector.broadcast %xor3A_95 : i32 to vector<16xi32>
    %xor3A_97 = arith.xori %iota3A, %xor3A_96 : vector<16xi32>
    %gather3A_98 = tpu.vector_load_idx %arg7[%xor3A_97] : memref<16xf32, #tpu.memory_space<vmem>>[vector<16xi32>], vector<16xf32>,
    %gather3A_99 = tpu.vector_load_idx %arg8[%xor3A_97] : memref<16xf32, #tpu.memory_space<vmem>>[vector<16xi32>], vector<16xf32>,
    %gather3A_100 = tpu.vector_load_idx %arg9[%xor3A_97] : memref<16xf32, #tpu.memory_space<vmem>>[vector<16xi32>], vector<16xf32>,
    %max3A_101 = arith.maximumf %max3A_80, %gather3A_98 : vector<16xf32>
    %min3A_102 = arith.minimumf %max3A_80, %gather3A_98 : vector<16xf32>
    %max3A_103 = arith.maximumf %max3A_85, %gather3A_99 : vector<16xf32>
    %min3A_104 = arith.minimumf %max3A_85, %gather3A_99 : vector<16xf32>
    %max3A_105 = arith.maximumf %max3A_88, %gather3A_100 : vector<16xf32>
    %max3A_106 = arith.maximumf %min3A_102, %max3A_103 : vector<16xf32>
    %min3A_107 = arith.minimumf %min3A_102, %max3A_103 : vector<16xf32>
    %max3A_108 = arith.maximumf %min3A_104, %max3A_105 : vector<16xf32>
    %max3A_109 = arith.maximumf %min3A_107, %max3A_108 : vector<16xf32>
    %swap3A_110 = arith.constant 0 : index
    %swap3A_111 = tpu.vector_load %arg7[%swap3A_110] {strides = array<i32>} : memref<16xf32, #tpu.memory_space<vmem>>, vector<16xf32>,
    tpu.vector_store %arg7[%swap3A_110], %max3A_101 {strides = array<i32>} : memref<16xf32, #tpu.memory_space<vmem>>, vector<16xf32>,
    %swap3A_112 = arith.constant 0 : index
    %swap3A_113 = tpu.vector_load %arg8[%swap3A_112] {strides = array<i32>} : memref<16xf32, #tpu.memory_space<vmem>>, vector<16xf32>,
    tpu.vector_store %arg8[%swap3A_112], %max3A_106 {strides = array<i32>} : memref<16xf32, #tpu.memory_space<vmem>>, vector<16xf32>,
    %swap3A_114 = arith.constant 0 : index
    %swap3A_115 = tpu.vector_load %arg9[%swap3A_114] {strides = array<i32>} : memref<16xf32, #tpu.memory_space<vmem>>, vector<16xf32>,
    tpu.vector_store %arg9[%swap3A_114], %max3A_109 {strides = array<i32>} : memref<16xf32, #tpu.memory_space<vmem>>, vector<16xf32>,
    %xor3A_116 = arith.constant 1 : i32
    %xor3A_117 = vector.broadcast %xor3A_116 : i32 to vector<16xi32>
    %xor3A_118 = arith.xori %iota3A, %xor3A_117 : vector<16xi32>
    %gather3A_119 = tpu.vector_load_idx %arg7[%xor3A_118] : memref<16xf32, #tpu.memory_space<vmem>>[vector<16xi32>], vector<16xf32>,
    %gather3A_120 = tpu.vector_load_idx %arg8[%xor3A_118] : memref<16xf32, #tpu.memory_space<vmem>>[vector<16xi32>], vector<16xf32>,
    %gather3A_121 = tpu.vector_load_idx %arg9[%xor3A_118] : memref<16xf32, #tpu.memory_space<vmem>>[vector<16xi32>], vector<16xf32>,
    %max3A_122 = arith.maximumf %max3A_101, %gather3A_119 : vector<16xf32>
    %min3A_123 = arith.minimumf %max3A_101, %gather3A_119 : vector<16xf32>
    %max3A_124 = arith.maximumf %max3A_106, %gather3A_120 : vector<16xf32>
    %min3A_125 = arith.minimumf %max3A_106, %gather3A_120 : vector<16xf32>
    %max3A_126 = arith.maximumf %max3A_109, %gather3A_121 : vector<16xf32>
    %max3A_127 = arith.maximumf %min3A_123, %max3A_124 : vector<16xf32>
    %min3A_128 = arith.minimumf %min3A_123, %max3A_124 : vector<16xf32>
    %max3A_129 = arith.maximumf %min3A_125, %max3A_126 : vector<16xf32>
    %max3A_130 = arith.maximumf %min3A_128, %max3A_129 : vector<16xf32>
    %gather3A_131 = tpu.vector_load_idx %arg5[%get3A_1] : memref<100000xf32, #tpu.memory_space<vmem>>[vector<16xi32>], vector<16xf32>,
    %eq3A = arith.cmpf oeq, %gather3A_131, %max3A_122 : vector<16xf32>
    %lt3A = arith.cmpf olt, %max3A_127, %max3A_122 : vector<16xf32>
    %and3A = arith.andi %eq3A, %lt3A : vector<16xi1>
    %select_n3A = arith.select %and3A, %max3A_127, %max3A_122 : vector<16xi1>, vector<16xf32>
    %sub3A = arith.subf %max3A_122, %max3A_130 : vector<16xf32>
    %add3A_132 = arith.constant 9.99999996E-13 : f32
    %add3A_133 = vector.broadcast %add3A_132 : f32 to vector<16xf32>
    %add3A_134 = arith.addf %sub3A, %add3A_133 : vector<16xf32>
    %sub3A_135 = arith.subf %gather3A_131, %select_n3A : vector<16xf32>
    %neg3A = arith.constant 0.000000e+00 : f32
    %neg3A_136 = vector.broadcast %neg3A : f32 to vector<16xf32>
    %neg3A_137 = arith.subf %neg3A_136, %sub3A_135 : vector<16xf32>
    %div3A = arith.divf %neg3A_137, %add3A_134 : vector<16xf32>
    %eq3A_138 = arith.constant 0 : i32
    %eq3A_139 = vector.broadcast %eq3A_138 : i32 to vector<16xi32>
    %eq3A_140 = arith.cmpi eq, %iota3A, %eq3A_139 : vector<16xi32>
    %select_n3A_141 = arith.select %eq3A_140, %div3A, %broadcast_in_dim3A_2 : vector<16xi1>, vector<16xf32>
    %swap3A_142 = arith.constant 0 : index
    %swap3A_143 = tpu.vector_load %arg10[%swap3A_142] {strides = array<i32>} : memref<16xf32, #tpu.memory_space<vmem>>, vector<16xf32>,
    tpu.vector_store %arg10[%swap3A_142], %select_n3A_141 {strides = array<i32>} : memref<16xf32, #tpu.memory_space<vmem>>, vector<16xf32>,
    "tpu.region"() ({
      %run_scoped3A = tpu.sem_alloc : memref<!tpu.dma_semaphore, #tpu.memory_space<semaphore_mem>>
      %dma_start3A = arith.constant 0 : i32
      %dma_start3A_144 = tpu.memref_slice %arg4[%add3A, %dma_start3A] : memref<32x16xf32, #tpu.memory_space<hbm>> -> memref<1x16xf32, #tpu.memory_space<hbm>>
      %dma_start3A_145 = tpu.memref_squeeze %dma_start3A_144 : memref<1x16xf32, #tpu.memory_space<hbm>> -> memref<16xf32, #tpu.memory_space<hbm>>
      %dma_start3A_146 = arith.constant 0 : i32
      %dma_start3A_147 = tpu.memref_slice %arg4[%add3A, %dma_start3A_146] : memref<32x16xf32, #tpu.memory_space<hbm>> -> memref<1x16xf32, #tpu.memory_space<hbm>>
      %dma_start3A_148 = tpu.memref_squeeze %dma_start3A_147 : memref<1x16xf32, #tpu.memory_space<hbm>> -> memref<16xf32, #tpu.memory_space<hbm>>
      tpu.enqueue_dma source(%arg10 : memref<16xf32, #tpu.memory_space<vmem>>) target(%dma_start3A_148 : memref<16xf32, #tpu.memory_space<hbm>>) target_semaphore(%run_scoped3A : memref<!tpu.dma_semaphore, #tpu.memory_space<semaphore_mem>>)
      %dma_wait3A = arith.constant 0 : i32
      %dma_wait3A_149 = tpu.memref_slice %arg4[%add3A, %dma_wait3A] : memref<32x16xf32, #tpu.memory_space<hbm>> -> memref<1x16xf32, #tpu.memory_space<hbm>>
      %dma_wait3A_150 = tpu.memref_squeeze %dma_wait3A_149 : memref<1x16xf32, #tpu.memory_space<hbm>> -> memref<16xf32, #tpu.memory_space<hbm>>
      %dma_wait3A_151 = arith.constant 0 : i32
      %dma_wait3A_152 = tpu.memref_slice %arg4[%add3A, %dma_wait3A_151] : memref<32x16xf32, #tpu.memory_space<hbm>> -> memref<1x16xf32, #tpu.memory_space<hbm>>
      %dma_wait3A_153 = tpu.memref_squeeze %dma_wait3A_152 : memref<1x16xf32, #tpu.memory_space<hbm>> -> memref<16xf32, #tpu.memory_space<hbm>>
      tpu.wait_dma2 semaphore(%run_scoped3A : memref<!tpu.dma_semaphore, #tpu.memory_space<semaphore_mem>>) src(%arg10 : memref<16xf32, #tpu.memory_space<vmem>>) dst(%dma_wait3A_153 : memref<16xf32, #tpu.memory_space<hbm>>)
      tpu.yield
    }) : () -> ()
    return
  }
}

module attributes {stable_mosaic.version = 14 : i64} {
  func.func @_tc_body(%arg0: i32, %arg1: memref<16x100352xf32, #tpu.memory_space<vmem>>, %arg2: memref<16x8xi32, #tpu.memory_space<vmem>>, %arg3: memref<16x8xf32, #tpu.memory_space<vmem>>) attributes {dimension_semantics = [#tpu.dimension_semantics<arbitrary>], iteration_bounds = array<i64: 6>, scalar_prefetch = 0 : i64, scratch_operands = 0 : i64, tpu.core_type = #tpu.core_type<tc>, window_params = [{transform_indices = @transform_0, window_bounds = array<i64: 16, 100352>}, {transform_indices = @transform_1, window_bounds = array<i64: 16, 8>}, {transform_indices = @transform_2, window_bounds = array<i64: 16, 8>}]} {
    %get3A = arith.constant 0 : index
    %get3A_0 = arith.constant 0 : index
    %get3A_1 = vector.load %arg2[%get3A, %get3A_0] : memref<16x8xi32, #tpu.memory_space<vmem>>, vector<16x1xi32>
    %broadcast_in_dim3A = arith.constant 0xFF800000 : f32
    %broadcast_in_dim3A_2 = vector.broadcast %broadcast_in_dim3A : f32 to vector<16x12544xf32>
    %iota3A = tpu.iota {dimensions = array<i32: 1>} : vector<16x12544xi32>
    %get3A_3 = arith.constant 0 : index
    %get3A_4 = arith.constant 0 : index
    %get3A_5 = vector.load %arg1[%get3A_3, %get3A_4] : memref<16x100352xf32, #tpu.memory_space<vmem>>, vector<16x12544xf32>
    %sub3A = arith.constant 0 : i32
    %sub3A_6 = vector.broadcast %sub3A : i32 to vector<16x1xi32>
    %sub3A_7 = arith.subi %get3A_1, %sub3A_6 : vector<16x1xi32>
    %eq3A = vector.broadcast %sub3A_7 : vector<16x1xi32> to vector<16x12544xi32>
    %eq3A_8 = arith.cmpi eq, %iota3A, %eq3A : vector<16x12544xi32>
    %select_n3A = arith.select %eq3A_8, %get3A_5, %broadcast_in_dim3A_2 : vector<16x12544xi1>, vector<16x12544xf32>
    %max3A = arith.maximumf %broadcast_in_dim3A_2, %get3A_5 : vector<16x12544xf32>
    %min3A = arith.minimumf %broadcast_in_dim3A_2, %get3A_5 : vector<16x12544xf32>
    %max3A_9 = arith.maximumf %broadcast_in_dim3A_2, %min3A : vector<16x12544xf32>
    %min3A_10 = arith.minimumf %broadcast_in_dim3A_2, %min3A : vector<16x12544xf32>
    %max3A_11 = arith.maximumf %broadcast_in_dim3A_2, %min3A_10 : vector<16x12544xf32>
    %get3A_12 = arith.constant 0 : index
    %get3A_13 = arith.constant 12544 : index
    %get3A_14 = vector.load %arg1[%get3A_12, %get3A_13] : memref<16x100352xf32, #tpu.memory_space<vmem>>, vector<16x12544xf32>
    %sub3A_15 = arith.constant 12544 : i32
    %sub3A_16 = vector.broadcast %sub3A_15 : i32 to vector<16x1xi32>
    %sub3A_17 = arith.subi %get3A_1, %sub3A_16 : vector<16x1xi32>
    %eq3A_18 = vector.broadcast %sub3A_17 : vector<16x1xi32> to vector<16x12544xi32>
    %eq3A_19 = arith.cmpi eq, %iota3A, %eq3A_18 : vector<16x12544xi32>
    %select_n3A_20 = arith.select %eq3A_19, %get3A_14, %select_n3A : vector<16x12544xi1>, vector<16x12544xf32>
    %max3A_21 = arith.maximumf %max3A, %get3A_14 : vector<16x12544xf32>
    %min3A_22 = arith.minimumf %max3A, %get3A_14 : vector<16x12544xf32>
    %max3A_23 = arith.maximumf %max3A_9, %min3A_22 : vector<16x12544xf32>
    %min3A_24 = arith.minimumf %max3A_9, %min3A_22 : vector<16x12544xf32>
    %max3A_25 = arith.maximumf %max3A_11, %min3A_24 : vector<16x12544xf32>
    %get3A_26 = arith.constant 0 : index
    %get3A_27 = arith.constant 25088 : index
    %get3A_28 = vector.load %arg1[%get3A_26, %get3A_27] : memref<16x100352xf32, #tpu.memory_space<vmem>>, vector<16x12544xf32>
    %sub3A_29 = arith.constant 25088 : i32
    %sub3A_30 = vector.broadcast %sub3A_29 : i32 to vector<16x1xi32>
    %sub3A_31 = arith.subi %get3A_1, %sub3A_30 : vector<16x1xi32>
    %eq3A_32 = vector.broadcast %sub3A_31 : vector<16x1xi32> to vector<16x12544xi32>
    %eq3A_33 = arith.cmpi eq, %iota3A, %eq3A_32 : vector<16x12544xi32>
    %select_n3A_34 = arith.select %eq3A_33, %get3A_28, %select_n3A_20 : vector<16x12544xi1>, vector<16x12544xf32>
    %max3A_35 = arith.maximumf %max3A_21, %get3A_28 : vector<16x12544xf32>
    %min3A_36 = arith.minimumf %max3A_21, %get3A_28 : vector<16x12544xf32>
    %max3A_37 = arith.maximumf %max3A_23, %min3A_36 : vector<16x12544xf32>
    %min3A_38 = arith.minimumf %max3A_23, %min3A_36 : vector<16x12544xf32>
    %max3A_39 = arith.maximumf %max3A_25, %min3A_38 : vector<16x12544xf32>
    %get3A_40 = arith.constant 0 : index
    %get3A_41 = arith.constant 37632 : index
    %get3A_42 = vector.load %arg1[%get3A_40, %get3A_41] : memref<16x100352xf32, #tpu.memory_space<vmem>>, vector<16x12544xf32>
    %sub3A_43 = arith.constant 37632 : i32
    %sub3A_44 = vector.broadcast %sub3A_43 : i32 to vector<16x1xi32>
    %sub3A_45 = arith.subi %get3A_1, %sub3A_44 : vector<16x1xi32>
    %eq3A_46 = vector.broadcast %sub3A_45 : vector<16x1xi32> to vector<16x12544xi32>
    %eq3A_47 = arith.cmpi eq, %iota3A, %eq3A_46 : vector<16x12544xi32>
    %select_n3A_48 = arith.select %eq3A_47, %get3A_42, %select_n3A_34 : vector<16x12544xi1>, vector<16x12544xf32>
    %max3A_49 = arith.maximumf %max3A_35, %get3A_42 : vector<16x12544xf32>
    %min3A_50 = arith.minimumf %max3A_35, %get3A_42 : vector<16x12544xf32>
    %max3A_51 = arith.maximumf %max3A_37, %min3A_50 : vector<16x12544xf32>
    %min3A_52 = arith.minimumf %max3A_37, %min3A_50 : vector<16x12544xf32>
    %max3A_53 = arith.maximumf %max3A_39, %min3A_52 : vector<16x12544xf32>
    %get3A_54 = arith.constant 0 : index
    %get3A_55 = arith.constant 50176 : index
    %get3A_56 = vector.load %arg1[%get3A_54, %get3A_55] : memref<16x100352xf32, #tpu.memory_space<vmem>>, vector<16x12544xf32>
    %sub3A_57 = arith.constant 50176 : i32
    %sub3A_58 = vector.broadcast %sub3A_57 : i32 to vector<16x1xi32>
    %sub3A_59 = arith.subi %get3A_1, %sub3A_58 : vector<16x1xi32>
    %eq3A_60 = vector.broadcast %sub3A_59 : vector<16x1xi32> to vector<16x12544xi32>
    %eq3A_61 = arith.cmpi eq, %iota3A, %eq3A_60 : vector<16x12544xi32>
    %select_n3A_62 = arith.select %eq3A_61, %get3A_56, %select_n3A_48 : vector<16x12544xi1>, vector<16x12544xf32>
    %max3A_63 = arith.maximumf %max3A_49, %get3A_56 : vector<16x12544xf32>
    %min3A_64 = arith.minimumf %max3A_49, %get3A_56 : vector<16x12544xf32>
    %max3A_65 = arith.maximumf %max3A_51, %min3A_64 : vector<16x12544xf32>
    %min3A_66 = arith.minimumf %max3A_51, %min3A_64 : vector<16x12544xf32>
    %max3A_67 = arith.maximumf %max3A_53, %min3A_66 : vector<16x12544xf32>
    %get3A_68 = arith.constant 0 : index
    %get3A_69 = arith.constant 62720 : index
    %get3A_70 = vector.load %arg1[%get3A_68, %get3A_69] : memref<16x100352xf32, #tpu.memory_space<vmem>>, vector<16x12544xf32>
    %sub3A_71 = arith.constant 62720 : i32
    %sub3A_72 = vector.broadcast %sub3A_71 : i32 to vector<16x1xi32>
    %sub3A_73 = arith.subi %get3A_1, %sub3A_72 : vector<16x1xi32>
    %eq3A_74 = vector.broadcast %sub3A_73 : vector<16x1xi32> to vector<16x12544xi32>
    %eq3A_75 = arith.cmpi eq, %iota3A, %eq3A_74 : vector<16x12544xi32>
    %select_n3A_76 = arith.select %eq3A_75, %get3A_70, %select_n3A_62 : vector<16x12544xi1>, vector<16x12544xf32>
    %max3A_77 = arith.maximumf %max3A_63, %get3A_70 : vector<16x12544xf32>
    %min3A_78 = arith.minimumf %max3A_63, %get3A_70 : vector<16x12544xf32>
    %max3A_79 = arith.maximumf %max3A_65, %min3A_78 : vector<16x12544xf32>
    %min3A_80 = arith.minimumf %max3A_65, %min3A_78 : vector<16x12544xf32>
    %max3A_81 = arith.maximumf %max3A_67, %min3A_80 : vector<16x12544xf32>
    %get3A_82 = arith.constant 0 : index
    %get3A_83 = arith.constant 75264 : index
    %get3A_84 = vector.load %arg1[%get3A_82, %get3A_83] : memref<16x100352xf32, #tpu.memory_space<vmem>>, vector<16x12544xf32>
    %sub3A_85 = arith.constant 75264 : i32
    %sub3A_86 = vector.broadcast %sub3A_85 : i32 to vector<16x1xi32>
    %sub3A_87 = arith.subi %get3A_1, %sub3A_86 : vector<16x1xi32>
    %eq3A_88 = vector.broadcast %sub3A_87 : vector<16x1xi32> to vector<16x12544xi32>
    %eq3A_89 = arith.cmpi eq, %iota3A, %eq3A_88 : vector<16x12544xi32>
    %select_n3A_90 = arith.select %eq3A_89, %get3A_84, %select_n3A_76 : vector<16x12544xi1>, vector<16x12544xf32>
    %max3A_91 = arith.maximumf %max3A_77, %get3A_84 : vector<16x12544xf32>
    %min3A_92 = arith.minimumf %max3A_77, %get3A_84 : vector<16x12544xf32>
    %max3A_93 = arith.maximumf %max3A_79, %min3A_92 : vector<16x12544xf32>
    %min3A_94 = arith.minimumf %max3A_79, %min3A_92 : vector<16x12544xf32>
    %max3A_95 = arith.maximumf %max3A_81, %min3A_94 : vector<16x12544xf32>
    %get3A_96 = arith.constant 0 : index
    %get3A_97 = arith.constant 87808 : index
    %get3A_98 = vector.load %arg1[%get3A_96, %get3A_97] : memref<16x100352xf32, #tpu.memory_space<vmem>>, vector<16x12544xf32>
    %lt3A = arith.constant 12192 : i32
    %lt3A_99 = vector.broadcast %lt3A : i32 to vector<16x12544xi32>
    %lt3A_100 = arith.cmpi slt, %iota3A, %lt3A_99 : vector<16x12544xi32>
    %jit3A = arith.constant 0xFF800000 : f32
    %broadcast_in_dim3A_101 = vector.broadcast %jit3A : f32 to vector<16x12544xf32>
    %select_n3A_102 = arith.select %lt3A_100, %get3A_98, %broadcast_in_dim3A_101 : vector<16x12544xi1>, vector<16x12544xf32>
    %sub3A_103 = arith.constant 87808 : i32
    %sub3A_104 = vector.broadcast %sub3A_103 : i32 to vector<16x1xi32>
    %sub3A_105 = arith.subi %get3A_1, %sub3A_104 : vector<16x1xi32>
    %eq3A_106 = vector.broadcast %sub3A_105 : vector<16x1xi32> to vector<16x12544xi32>
    %eq3A_107 = arith.cmpi eq, %iota3A, %eq3A_106 : vector<16x12544xi32>
    %select_n3A_108 = arith.select %eq3A_107, %select_n3A_102, %select_n3A_90 : vector<16x12544xi1>, vector<16x12544xf32>
    %max3A_109 = arith.maximumf %max3A_91, %select_n3A_102 : vector<16x12544xf32>
    %min3A_110 = arith.minimumf %max3A_91, %select_n3A_102 : vector<16x12544xf32>
    %max3A_111 = arith.maximumf %max3A_93, %min3A_110 : vector<16x12544xf32>
    %min3A_112 = arith.minimumf %max3A_93, %min3A_110 : vector<16x12544xf32>
    %max3A_113 = arith.maximumf %max3A_95, %min3A_112 : vector<16x12544xf32>
    %reduce_max3A = arith.constant dense<0xFF800000> : vector<16xf32>
    %reduce_max3A_114 = vector.multi_reduction <maximumf>, %select_n3A_108, %reduce_max3A [1] : vector<16x12544xf32> to vector<16xf32>
    %broadcast_in_dim3A_115 = vector.shape_cast %reduce_max3A_114 : vector<16xf32> to vector<16x1xf32>
    %slice3A = vector.extract_strided_slice %max3A_109 {offsets = [0, 0], sizes = [16, 6272], strides = [1, 1]} : vector<16x12544xf32> to vector<16x6272xf32>
    %slice3A_116 = vector.extract_strided_slice %max3A_111 {offsets = [0, 0], sizes = [16, 6272], strides = [1, 1]} : vector<16x12544xf32> to vector<16x6272xf32>
    %slice3A_117 = vector.extract_strided_slice %max3A_113 {offsets = [0, 0], sizes = [16, 6272], strides = [1, 1]} : vector<16x12544xf32> to vector<16x6272xf32>
    %slice3A_118 = vector.extract_strided_slice %max3A_109 {offsets = [0, 6272], sizes = [16, 6272], strides = [1, 1]} : vector<16x12544xf32> to vector<16x6272xf32>
    %slice3A_119 = vector.extract_strided_slice %max3A_111 {offsets = [0, 6272], sizes = [16, 6272], strides = [1, 1]} : vector<16x12544xf32> to vector<16x6272xf32>
    %slice3A_120 = vector.extract_strided_slice %max3A_113 {offsets = [0, 6272], sizes = [16, 6272], strides = [1, 1]} : vector<16x12544xf32> to vector<16x6272xf32>
    %max3A_121 = arith.maximumf %slice3A, %slice3A_118 : vector<16x6272xf32>
    %min3A_122 = arith.minimumf %slice3A, %slice3A_118 : vector<16x6272xf32>
    %max3A_123 = arith.maximumf %slice3A_116, %slice3A_119 : vector<16x6272xf32>
    %min3A_124 = arith.minimumf %slice3A_116, %slice3A_119 : vector<16x6272xf32>
    %max3A_125 = arith.maximumf %slice3A_117, %slice3A_120 : vector<16x6272xf32>
    %max3A_126 = arith.maximumf %min3A_122, %max3A_123 : vector<16x6272xf32>
    %min3A_127 = arith.minimumf %min3A_122, %max3A_123 : vector<16x6272xf32>
    %max3A_128 = arith.maximumf %min3A_124, %max3A_125 : vector<16x6272xf32>
    %max3A_129 = arith.maximumf %min3A_127, %max3A_128 : vector<16x6272xf32>
    %iota3A_130 = tpu.iota {dimensions = array<i32: 1>} : vector<16x6272xi32>
    %broadcast_in_dim3A_131 = arith.constant 0 : i32
    %broadcast_in_dim3A_132 = vector.broadcast %broadcast_in_dim3A_131 : i32 to vector<16x6272xi32>
    %eq3A_133 = arith.constant 0 : i32
    %eq3A_134 = vector.broadcast %eq3A_133 : i32 to vector<16x6272xi32>
    %eq3A_135 = arith.cmpi eq, %broadcast_in_dim3A_132, %eq3A_134 : vector<16x6272xi32>
    %eq3A_136 = arith.constant 1 : i32
    %eq3A_137 = vector.broadcast %eq3A_136 : i32 to vector<16x6272xi32>
    %eq3A_138 = arith.cmpi eq, %broadcast_in_dim3A_132, %eq3A_137 : vector<16x6272xi32>
    %select_n3A_139 = arith.select %eq3A_138, %max3A_126, %max3A_129 : vector<16x6272xi1>, vector<16x6272xf32>
    %select_n3A_140 = arith.select %eq3A_135, %max3A_121, %select_n3A_139 : vector<16x6272xi1>, vector<16x6272xf32>
    %reduce_max3A_141 = arith.constant dense<0xFF800000> : vector<16xf32>
    %reduce_max3A_142 = vector.multi_reduction <maximumf>, %select_n3A_140, %reduce_max3A_141 [1] : vector<16x6272xf32> to vector<16xf32>
    %broadcast_in_dim3A_143 = vector.shape_cast %reduce_max3A_142 : vector<16xf32> to vector<16x1xf32>
    %eq3A_144 = vector.broadcast %broadcast_in_dim3A_143 : vector<16x1xf32> to vector<16x6272xf32>
    %eq3A_145 = arith.cmpf oeq, %select_n3A_140, %eq3A_144 : vector<16x6272xf32>
    %jit3A_146 = arith.constant 6272 : i32
    %broadcast_in_dim3A_147 = vector.broadcast %jit3A_146 : i32 to vector<16x6272xi32>
    %select_n3A_148 = arith.select %eq3A_145, %iota3A_130, %broadcast_in_dim3A_147 : vector<16x6272xi1>, vector<16x6272xi32>
    %reduce_min3A = arith.constant dense<2147483647> : vector<16xi32>
    %reduce_min3A_149 = vector.multi_reduction <minsi>, %select_n3A_148, %reduce_min3A [1] : vector<16x6272xi32> to vector<16xi32>
    %broadcast_in_dim3A_150 = vector.shape_cast %reduce_min3A_149 : vector<16xi32> to vector<16x1xi32>
    %eq3A_151 = vector.broadcast %broadcast_in_dim3A_150 : vector<16x1xi32> to vector<16x6272xi32>
    %eq3A_152 = arith.cmpi eq, %iota3A_130, %eq3A_151 : vector<16x6272xi32>
    %jit3A_153 = arith.constant 1 : i32
    %jit3A_154 = arith.constant 0 : i32
    %broadcast_in_dim3A_155 = vector.broadcast %jit3A_153 : i32 to vector<16x6272xi32>
    %broadcast_in_dim3A_156 = vector.broadcast %jit3A_154 : i32 to vector<16x6272xi32>
    %select_n3A_157 = arith.select %eq3A_152, %broadcast_in_dim3A_155, %broadcast_in_dim3A_156 : vector<16x6272xi1>, vector<16x6272xi32>
    %add3A = arith.addi %broadcast_in_dim3A_132, %select_n3A_157 : vector<16x6272xi32>
    %eq3A_158 = arith.constant 0 : i32
    %eq3A_159 = vector.broadcast %eq3A_158 : i32 to vector<16x6272xi32>
    %eq3A_160 = arith.cmpi eq, %add3A, %eq3A_159 : vector<16x6272xi32>
    %eq3A_161 = arith.constant 1 : i32
    %eq3A_162 = vector.broadcast %eq3A_161 : i32 to vector<16x6272xi32>
    %eq3A_163 = arith.cmpi eq, %add3A, %eq3A_162 : vector<16x6272xi32>
    %select_n3A_164 = arith.select %eq3A_163, %max3A_126, %max3A_129 : vector<16x6272xi1>, vector<16x6272xf32>
    %select_n3A_165 = arith.select %eq3A_160, %max3A_121, %select_n3A_164 : vector<16x6272xi1>, vector<16x6272xf32>
    %reduce_max3A_166 = arith.constant dense<0xFF800000> : vector<16xf32>
    %reduce_max3A_167 = vector.multi_reduction <maximumf>, %select_n3A_165, %reduce_max3A_166 [1] : vector<16x6272xf32> to vector<16xf32>
    %broadcast_in_dim3A_168 = vector.shape_cast %reduce_max3A_167 : vector<16xf32> to vector<16x1xf32>
    %eq3A_169 = vector.broadcast %broadcast_in_dim3A_168 : vector<16x1xf32> to vector<16x6272xf32>
    %eq3A_170 = arith.cmpf oeq, %select_n3A_165, %eq3A_169 : vector<16x6272xf32>
    %jit3A_171 = arith.constant 6272 : i32
    %broadcast_in_dim3A_172 = vector.broadcast %jit3A_171 : i32 to vector<16x6272xi32>
    %select_n3A_173 = arith.select %eq3A_170, %iota3A_130, %broadcast_in_dim3A_172 : vector<16x6272xi1>, vector<16x6272xi32>
    %reduce_min3A_174 = arith.constant dense<2147483647> : vector<16xi32>
    %reduce_min3A_175 = vector.multi_reduction <minsi>, %select_n3A_173, %reduce_min3A_174 [1] : vector<16x6272xi32> to vector<16xi32>
    %broadcast_in_dim3A_176 = vector.shape_cast %reduce_min3A_175 : vector<16xi32> to vector<16x1xi32>
    %eq3A_177 = vector.broadcast %broadcast_in_dim3A_176 : vector<16x1xi32> to vector<16x6272xi32>
    %eq3A_178 = arith.cmpi eq, %iota3A_130, %eq3A_177 : vector<16x6272xi32>
    %jit3A_179 = arith.constant 1 : i32
    %jit3A_180 = arith.constant 0 : i32
    %broadcast_in_dim3A_181 = vector.broadcast %jit3A_179 : i32 to vector<16x6272xi32>
    %broadcast_in_dim3A_182 = vector.broadcast %jit3A_180 : i32 to vector<16x6272xi32>
    %select_n3A_183 = arith.select %eq3A_178, %broadcast_in_dim3A_181, %broadcast_in_dim3A_182 : vector<16x6272xi1>, vector<16x6272xi32>
    %add3A_184 = arith.addi %add3A, %select_n3A_183 : vector<16x6272xi32>
    %eq3A_185 = arith.constant 0 : i32
    %eq3A_186 = vector.broadcast %eq3A_185 : i32 to vector<16x6272xi32>
    %eq3A_187 = arith.cmpi eq, %add3A_184, %eq3A_186 : vector<16x6272xi32>
    %eq3A_188 = arith.constant 1 : i32
    %eq3A_189 = vector.broadcast %eq3A_188 : i32 to vector<16x6272xi32>
    %eq3A_190 = arith.cmpi eq, %add3A_184, %eq3A_189 : vector<16x6272xi32>
    %select_n3A_191 = arith.select %eq3A_190, %max3A_126, %max3A_129 : vector<16x6272xi1>, vector<16x6272xf32>
    %select_n3A_192 = arith.select %eq3A_187, %max3A_121, %select_n3A_191 : vector<16x6272xi1>, vector<16x6272xf32>
    %reduce_max3A_193 = arith.constant dense<0xFF800000> : vector<16xf32>
    %reduce_max3A_194 = vector.multi_reduction <maximumf>, %select_n3A_192, %reduce_max3A_193 [1] : vector<16x6272xf32> to vector<16xf32>
    %broadcast_in_dim3A_195 = vector.shape_cast %reduce_max3A_194 : vector<16xf32> to vector<16x1xf32>
    %eq3A_196 = arith.cmpf oeq, %broadcast_in_dim3A_115, %broadcast_in_dim3A_143 : vector<16x1xf32>
    %lt3A_197 = arith.cmpf olt, %broadcast_in_dim3A_168, %broadcast_in_dim3A_143 : vector<16x1xf32>
    %and3A = arith.andi %eq3A_196, %lt3A_197 : vector<16x1xi1>
    %select_n3A_198 = arith.select %and3A, %broadcast_in_dim3A_168, %broadcast_in_dim3A_143 : vector<16x1xi1>, vector<16x1xf32>
    %sub3A_199 = arith.subf %broadcast_in_dim3A_115, %select_n3A_198 : vector<16x1xf32>
    %neg3A = arith.constant 0.000000e+00 : f32
    %neg3A_200 = vector.broadcast %neg3A : f32 to vector<16x1xf32>
    %neg3A_201 = arith.subf %neg3A_200, %sub3A_199 : vector<16x1xf32>
    %sub3A_202 = arith.subf %broadcast_in_dim3A_143, %broadcast_in_dim3A_195 : vector<16x1xf32>
    %add3A_203 = arith.constant 9.99999996E-13 : f32
    %add3A_204 = vector.broadcast %add3A_203 : f32 to vector<16x1xf32>
    %add3A_205 = arith.addf %sub3A_202, %add3A_204 : vector<16x1xf32>
    %div3A = arith.divf %neg3A_201, %add3A_205 : vector<16x1xf32>
    %broadcast_in_dim3A_206 = vector.shape_cast %div3A : vector<16x1xf32> to vector<16x1xf32>
    %broadcast_in_dim3A_207 = vector.broadcast %broadcast_in_dim3A_206 : vector<16x1xf32> to vector<16x8xf32>
    %swap3A = arith.constant 0 : index
    %swap3A_208 = arith.constant 0 : index
    %swap3A_209 = vector.load %arg3[%swap3A, %swap3A_208] : memref<16x8xf32, #tpu.memory_space<vmem>>, vector<16x8xf32>
    tpu.vector_store %arg3[%swap3A, %swap3A_208], %broadcast_in_dim3A_207 {strides = array<i32>} : memref<16x8xf32, #tpu.memory_space<vmem>>, vector<16x8xf32>,
    return
  }
  func.func @transform_0(%arg0: i32) -> (i32, i32) {
    %c0_i32 = arith.constant 0 : i32
    %c0_i32_0 = arith.constant 0 : i32
    return %arg0, %c0_i32 : i32, i32
  }
  func.func @transform_1(%arg0: i32) -> (i32, i32) {
    %c0_i32 = arith.constant 0 : i32
    %c0_i32_0 = arith.constant 0 : i32
    return %arg0, %c0_i32 : i32, i32
  }
  func.func @transform_2(%arg0: i32) -> (i32, i32) {
    %c0_i32 = arith.constant 0 : i32
    %c0_i32_0 = arith.constant 0 : i32
    return %arg0, %c0_i32 : i32, i32
  }
}

</mosaic_0001>

<sc_bundles>
// kernel: kernel.4.cloned.1.call-start
scs
__scs_entry_jumppad:
0x0: {  	(pc) =	sbr.rel $0x88, $3  }
0x1: {  	(tag) =	ssettag $0x0;
	lr =	simm.s32 $0x1  }
0x2: {  	[smem:$0x3F9F] =	sst lr;
	_ =	strace $0xD0000000  }
0x3: {  	_ = 	snop  }
0x4: {  	_ = 	snop  }
0x5: {  	_ = 	snop  }
0x6: {  	_ = 	snop  }
0x7: {  	_ = 	snop  }
__scs_overlays_trampoline_lowered:
0x8: {  	[smem:$0x3FAE] =	sst s0  }
0x9: {  	[smem:$0x3FAF] =	sst s1  }
0xa: {  	[smem:$0x3FB0] =	sst s2  }
0xb: {  	[smem:$0x3FB1] =	sst s3  }
0xc: {  	[smem:$0x3FB2] =	sst s4  }
0xd: {  	[smem:$0x3FB3] =	sst s5  }
0xe: {  	[smem:$0x3FB4] =	sst s6  }
0xf: {  	[smem:$0x3FB5] =	sst s7  }
0x10: {  	[smem:$0x3FB6] =	sst s8  }
0x11: {  	[smem:$0x3FB7] =	sst s9;
	s0 =	simm.s32 @!p0 $0x0  }
0x12: {  	s1 =	sld [smem:$0x3F9D];
	s0 =	simm.s32 @p0 $0x1  }
0x13: {  	[smem:$0x3FB8] =	sst s0;
	s0 =	simm.s32 @!p1 $0x0  }
0x14: {  	s2 =	sld [smem:$0x3F9C];
	s0 =	simm.s32 @p1 $0x1  }
0x15: {  	[smem:$0x3FB9] =	sst s0;
	s0 =	simm.s32 @!p2 $0x0  }
0x16: {  	s3 =	sld [smem:$0x3FDB];
	s0 =	simm.s32 @p2 $0x1  }
0x17: {  	s4 =	simm.s32 $0x1BF5;
	[smem:$0x3FBB] =	sst s0  }
0x18: {  	s0 =	sld [smem:$0x3F9E];
	_ =	swait.ge [sflag:s4], $0x0  }
0x19: {  	s7 =	sld [smem:$0x3F9F]  }
0x1a: {  	s8 =	sadd.s32 $0xFFFFE003, lr  }
0x1b: {  	s9 =	sadd.s32 $0xFFFFFEF7, lr;
	s5 =	simm.s32 $0xFFFFFFFF;
	p2 =	slt.u32 s8, $0xFFFFF086  }
0x1c: {  	p1 =	slt.u32 s9, $0xF7A;
	s5 =	simm.s32 @!p2 $0x0  }
0x1d: {  	s5 =	simm.s32 @p1 $0x1;
	p0 =	seq.s32 s7, s2  }
0x1e: {  	s7 =	smul.u32 @!p0 $0xF7A, s2;
	p2 =	seq.s32 @!p0 s5, $0x0  }
0x1f: {  	s9 =	smul.u32 $0xF7A, s1;
	s8 =	simm.s32 @!p0 $0x1BF5;
	p2 =	por !p2, p0  }
0x20: {  	[sflag:s8] =	ssyncset.s32 @!p0 $0xFFFFF086;
	s6 =	sadd.s32 @!p0 s3, s7;
	s7 =	simm.s32 @!p0 $0x108  }
0x21: {  	s3 =	sadd.s32 s3, s9;
	s6 =	sadd.s32 @!p0 $0x88, s6;
	s7 =	simm.s32 @p2 $0x1082  }
0x22: {  	[simem:s7], [sflag:s8] =	dma.local @!p0 [hbm:s6], $0xF7A  }
0x23: {  	s9 =	sor.u32 $0xD0000000, s2;
	s6 =	simm.s32 $0x108;
	_ =	swait.ge @!p0 [sflag:s8], $0x0  }
0x24: {  	s3 =	sadd.s32 $0x88, s3;
	s6 =	simm.s32 @!p1 $0x1082;
	[sflag:s4] =	ssyncset.s32 $0xFFFFF086  }
0x25: {  	[simem:s6], [sflag:s4] =	dma.local [hbm:s3], $0xF7A  }
0x26: {  	[smem:$0x3F9F] =	sst s1;
	(tag) =	ssettag s2;
	_ =	strace s9  }
0x27: {  	s1 =	sld [smem:$0x3FAF]  }
0x28: {  	s2 =	sld [smem:$0x3FB0]  }
0x29: {  	s4 =	sld [smem:$0x3FB2]  }
0x2a: {  	p0 =	seq.s32 s5, $0x0;
	s5 =	sld [smem:$0x3FB3]  }
0x2b: {  	s6 =	sld [smem:$0x3FB4]  }
0x2c: {  	s7 =	sld [smem:$0x3FB5]  }
0x2d: {  	s3 =	simm.s32 $0x108;
	s8 =	sld [smem:$0x3FB6]  }
0x2e: {  	s3 =	simm.s32 @!p0 $0x1082;
	s9 =	sld [smem:$0x3FB7]  }
0x2f: {  	lr =	sadd.s32 s0, s3;
	s0 =	sld [smem:$0x3FAE]  }
0x30: {  	s3 =	sld [smem:$0x3FB1]  }
0x31: {  	[smem:$0x3FBA] =	sst s10  }
0x32: {  	s10 =	sld [smem:$0x3FB8];
	_ =	sdelay $0x3  }
0x33: {  	p0 =	seq.s32 s10, $0x1;
	s10 =	sld [smem:$0x3FBA];
	_ =	sdelay $0x3  }
0x34: {  	[smem:$0x3FBA] =	sst s10  }
0x35: {  	s10 =	sld [smem:$0x3FB9];
	_ =	sdelay $0x3  }
0x36: {  	p1 =	seq.s32 s10, $0x1;
	s10 =	sld [smem:$0x3FBA];
	_ =	sdelay $0x3  }
0x37: {  	[smem:$0x3FBA] =	sst s10  }
0x38: {  	s10 =	sld [smem:$0x3FBB]  }
0x39: {  	_ = 	snop;
	(pc) =	sbr.ind lr, $3  }
0x3a: {  	_ = 	snop  }
0x3b: {  	_ = 	snop  }
0x3c: {  	p2 =	seq.s32 s10, $0x1;
	s10 =	sld [smem:$0x3FBA]  }
0x3d: {  	_ =	shalt  }
0x3e: {  	_ =	shalt  }
0x3f: {  	_ =	shalt  }
0x40: {  	_ =	shalt  }
0x41: {  	_ =	shalt  }
0x42: {  	_ =	shalt  }
0x43: {  	_ =	shalt  }
0x44: {  	_ =	shalt  }
0x45: {  	_ =	shalt  }
0x46: {  	_ =	shalt  }
0x47: {  	_ =	shalt  }
0x48: {  	_ =	shalt  }
0x49: {  	_ =	shalt  }
0x4a: {  	_ =	shalt  }
0x4b: {  	_ =	shalt  }
0x4c: {  	_ =	shalt  }
0x4d: {  	_ =	shalt  }
0x4e: {  	_ =	shalt  }
0x4f: {  	_ =	shalt  }
0x50: {  	_ =	shalt  }
0x51: {  	_ =	shalt  }
0x52: {  	_ =	shalt  }
0x53: {  	_ =	shalt  }
0x54: {  	_ =	shalt  }
0x55: {  	_ =	shalt  }
0x56: {  	_ =	shalt  }
0x57: {  	_ =	shalt  }
0x58: {  	_ =	shalt  }
0x59: {  	_ =	shalt  }
0x5a: {  	_ =	shalt  }
0x5b: {  	_ =	shalt  }
0x5c: {  	_ =	shalt  }
0x5d: {  	_ =	shalt  }
0x5e: {  	_ =	shalt  }
0x5f: {  	_ =	shalt  }
0x60: {  	_ =	shalt  }
0x61: {  	_ =	shalt  }
0x62: {  	_ =	shalt  }
0x63: {  	_ =	shalt  }
0x64: {  	_ =	shalt  }
0x65: {  	_ =	shalt  }
0x66: {  	_ =	shalt  }
0x67: {  	_ =	shalt  }
0x68: {  	_ =	shalt  }
0x69: {  	_ =	shalt  }
0x6a: {  	_ =	shalt  }
0x6b: {  	_ =	shalt  }
0x6c: {  	_ =	shalt  }
0x6d: {  	_ =	shalt  }
0x6e: {  	_ =	shalt  }
0x6f: {  	_ =	shalt  }
0x70: {  	_ =	shalt  }
0x71: {  	_ =	shalt  }
0x72: {  	_ =	shalt  }
0x73: {  	_ =	shalt  }
0x74: {  	_ =	shalt  }
0x75: {  	_ =	shalt  }
0x76: {  	_ =	shalt  }
0x77: {  	_ =	shalt  }
0x78: {  	_ =	shalt  }
0x79: {  	_ =	shalt  }
0x7a: {  	_ =	shalt  }
0x7b: {  	_ =	shalt  }
0x7c: {  	_ =	shalt  }
0x7d: {  	_ =	shalt  }
0x7e: {  	_ =	shalt  }
0x7f: {  	_ =	shalt  }
0x80: {  	_ =	shalt  }
0x81: {  	_ =	shalt  }
0x82: {  	_ =	shalt  }
0x83: {  	_ =	shalt  }
0x84: {  	_ =	shalt  }
0x85: {  	_ =	shalt  }
0x86: {  	_ =	shalt  }
0x87: {  	_ =	shalt  }
.Lfunc_end0:
.L_simem_size_0:
called_computation_lowered:
.L_overlay_start_0:
0x88: {  	s2 =	sld [smem:$0x3FD9]  }
0x89: {  	s3 =	sld [smem:$0x3FFE];
	_ =	sdelay $0x1  }
0x8a: {  	s1 =	srdreg.scid  }
0x8b: {  	s0 =	sand.u32 $0x1, s1  }
0x8c: {  	s16 =	sshll.u32 s0, $0xA;
	s2 =	sadd.s32 s3, s2  }
0x8d: {  	s2 =	sadd.s32 s2, s16  }
0x8e: {  	[smem:$0x3FC6] =	sst s2  }
0x8f: {  	_ = 	snop  }
0x90: {  	(tm) =	ssettm $0x1  }
0x91: {  	s17 =	sld [smem:$0x3FFB];
	_ =	sdelay $0x3  }
0x92: {  	_ =	strace s17  }
0x93: {  	s2 =	sld [smem:$0x3FFC];
	_ =	sdelay $0x3  }
0x94: {  	_ =	strace s2  }
0x95: {  	s2 =	sld [smem:$0x3FFD];
	_ =	sdelay $0x3  }
0x96: {  	_ =	strace s2  }
0x97: {  	_ =	strace $0x8FFFFFFF  }
0x98: {  	s18 =	sld [smem:$0x3FDB];
	_ =	sdelay $0x1  }
0x99: {  	s19 =	simm.s32 $_scs_section_size  }
0x9a: {  	s4 =	simm.s32 $_size__tile_overlayer_lowered;
	s5 =	simm.s32 $_tile_overlayer_lowered  }
0x9b: {  	s22 =	simm.s32 $0x1BFF;
	s21 =	sshll.u32 s5, $0x1;
	s2 =	sadd.s32 s19, s18  }
0x9c: {  	s6 =	simm.s32 $0x0;
	s20 =	sshll.u32 s4, $0x1;
	s4 =	sadd.s32 s21, s2  }
0x9d: {  	[timem:s6], [sflag:s22] =	dma.local [hbm:s4], s20  }
0x9e: {  	_ =	swait.ge [sflag:s22], s20  }
0x9f: {  	s3 =	ssub.s32 $0x0, s20;
	[sflag:s22] =	ssyncset.done $0x0  }
0xa0: {  	[sflag:s22] =	ssyncadd.s32 s3;
	_ =	sdelay $0x1  }
0xa1: {  	s23 =	simm.s32 $0x1B8B  }
0xa2: {  	_ =	swait.ge [sflag:s23], $0x1  }
0xa3: {  	[sflag:s23] =	ssyncset.done $0x0  }
0xa4: {  	s25 =	simm.s32 $0x1B8E;
	s24 =	sld [smem:$0x3FFE];
	[sflag:s23] =	ssyncadd.s32 $0xFFFFFFFF  }
0xa5: {  	s26 =	simm.s32 $execute0_lowered;
	[smem:$0x3FD2] =	sst s25  }
0xa6: {  	s4 =	sshll.u32 s26, $0x1;
	_ =	strace $0x80000046;
	[dreg:$0x1] =	wrdreg $0xFFFFFFFF  }
0xa7: {  	s28 =	simm.s32 $_size_execute0_lowered;
	s2 =	sadd.s32 s2, s4;
	[dreg:$0x0] =	wrdreg $0x0  }
0xa8: {  	s4 =	sshll.u32 s28, $0x1;
	[dreg:$0x2] =	wrdreg s2  }
0xa9: {  	[dreg:$0x3] =	wrdreg s4  }
0xaa: {  	[dreg:$0x4] =	wrdreg $0xC0  }
0xab: {  	_ =	task [dreg:s6], $0x5FFFF  }
0xac: {  	[dreg:$0x1] =	wrdreg $0xFFFFFFFF  }
0xad: {  	[dreg:$0x0] =	wrdreg $0x60  }
0xae: {  	[dreg:$0x2] =	wrdreg s24  }
0xaf: {  	[dreg:$0x3] =	wrdreg $0x9  }
0xb0: {  	_ =	task.clear_ibuf [dreg:s6], $0x4FFFF;
	_ =	strace $0x90000046  }
0xb1: {  	s29 =	simm.s32 $0x9;
	_ =	strace $0x80000048  }
0xb2: {  	_ =	swait.ge [sflag:s29], $0x1  }
0xb3: {  	[sflag:s29] =	ssyncadd.s32 $0xFFFFFFFF  }
0xb4: {  	_ =	strace $0x90000048  }
0xb5: {  	_ =	sfence  }
0xb6: {  	s30 =	sld [smem:$0x0];
	_ =	sdelay $0x2  }
0xb7: {  	s31 =	sshll.u32 s1, $0xD;
	s1 =	sshrl.u32 s1, $0x2  }
0xb8: {  	s3 =	sand.u32 $0x4000, s31;
	s1 =	sadd.s32 s1, s30  }
0xb9: {  	s0 =	sor.u32 s3, s0;
	s1 =	sshll.u32 s1, $0x11  }
0xba: {  	s0 =	sor.u32 s1, s0  }
0xbb: {  	s0 =	sadd.s32 $0x8F2B, s0  }
0xbc: {  	[sflag:s0] =	ssyncadd.remote.s32 $0x1  }
0xbd: {  	_ =	sfence.sel $0xFFFF  }
0xbe: {  	[dreg:$0x0] =	wrdreg $0xFFFFFFFF;
	(pc) =	sbr.abs _section_cstart, $3  }
0xbf: {  	[dreg:$0x1] =	wrdreg $0xFFFFFFFF  }
0xc0: {  	_ =	task.clear_ibuf [dreg:s6], $0x2FFFF;
	_ =	strace $0x9FFFFFFF  }
0xc1: {  	(tm) =	ssettm $0x7FFFFFFF  }
tec
execute0_lowered:
.L_overlay_start_1:
0x0: {  	(tag) =	ssettag $0x1  }
0x1: {  	s4 =	rddreg [dreg:$0x0];
	v0 =	vimm.s32 $0xFEDCBA98;
	v1 =	vimm.s32 $0x76543210  }
0x2: {  	s0 =	rddreg [dreg:$0x1];
	s2 =	simm.s32 $0x0;
	s1 =	stileid.u32;
	v2 =	vimm.s32 $0xBA98FEDC;
	v3 =	vimm.s32 $0x32107654;
	v4 =	vimm.s32 $0xDCFE98BA  }
0x3: {  	s3 =	srdreg.scid;
	v5 =	vimm.s32 $0x54761032;
	v6 =	vimm.s32 $0xEFCDAB89;
	s9 =	simm.s32 $0x80;
	s10 =	simm.s32 $0x400  }
0x4: {  	v7 =	vimm.s32 $0x67452301;
	s11 =	simm.s32 $0x18780;
	s12 =	simm.s32 $0x18800;
	s13 =	simm.s32 $0x18880  }
0x5: {  	s14 =	simm.s32 $0x18900;
	s15 =	simm.s32 $0x0;
	v0 =	vunpack.c.l.s4.s8 v0;
	[smem:$0x7FF] =	sst s2;
	v1 =	vunpack.c.l.s4.s8 v1;
	v2 =	vunpack.c.l.s4.s8 v2  }
0x6: {  	s5 =	sshll.u32 s1, $0x8;
	s3 =	sand.u32 $0x1, s3;
	s8 =	sshrl.u32 s1, $0x2;
	v3 =	vunpack.c.l.s4.s8 v3;
	v4 =	vunpack.c.l.s4.s8 v4;
	v5 =	vunpack.c.l.s4.s8 v5  }
0x7: {  	v6 =	vunpack.c.l.s4.s8 v6;
	v7 =	vunpack.c.l.s4.s8 v7;
	s6 =	sand.u32 $0x300, s5;
	s7 =	sshll.u32 s3, $0x7;
	s30 =	smul.u32 $0xC3800, s8;
	v0 =	vunpack.c.0.s8.s32 v0  }
0x8: {  	_ =	strace $0x80000047;
	s5 =	sand.u32 $0xC00, s5;
	s6 =	sor.u32 s7, s6;
	v2 =	vunpack.c.0.s8.s32 v2;
	v3 =	vunpack.c.0.s8.s32 v3;
	v4 =	vunpack.c.0.s8.s32 v4  }
0x9: {  	s3 =	ssub.s32 $0x2, s3;
	v5 =	vunpack.c.0.s8.s32 v5;
	v6 =	vunpack.c.0.s8.s32 v6;
	v7 =	vunpack.c.0.s8.s32 v7;
	s5 =	sor.u32 s5, s6;
	s6 =	sor.u32 s6, s30  }
0xa: {  	s8 =	simm.s32 $0x1;
	v1 =	vunpack.c.0.s8.s32 v1;
	s5 =	sshrl.u32 s5, $0x3;
	s6 =	sadd.s32 $0x92A000, s6;
	v2 =	vcombine.low v3, v2  }
0xb: {  	s31 =	sshrl.u32 s3, $0x1;
	v3 =	vcombine.low v5, v4;
	v4 =	vcombine.low v7, v6;
	v0 =	vand.u32 $0xF, v0;
	s5 =	sadd.s32 s5, s4;
	s6 =	sshrl.u32 s6, $0x3  }
0xc: {  	vm0 =	vmmov $0x1;
	s7 =	ssub.s32 s3, s31;
	v0 =	vcombine.low v0, v1;
	s3 =	sadd.s32 $0x187000, s5;
	s4 =	sadd.s32 s4, s6  }
0xd: {  	s5 =	sadd.s32 $0x187200, s5;
	s6 =	smax.u32 s7, $0x1;
	s7 =	simm.s32 $0x18700;
	v1 =	vand.u32 $0xF, v2;
	v2 =	vand.u32 $0xF, v3;
	v3 =	vand.u32 $0xF, v4  }
.LBB2_1:
0xe: {  	[tilespmem:s7], [sflag:$0x1] =	stream.linear.gather [hbm4b:s3+s2], $0x80, $0x38;
	[tilespmem:$0x18980] =	vst v63  }
0xf: {  	_ =	swait.ge [sflag:s8], $0x80  }
0x10: {  	[sflag:s8] =	ssyncset.done $0x0  }
0x11: {  	[sflag:s8] =	ssyncadd.s32 $0xFFFFFF80  }
0x12: {  	v4 =	vld [tilespmem:$0x18700];
	[tilespmem:s2], [sflag:$0x1] =	stream.strided.gather [hbm4b:s4+s9], $0x18700, s10, s9, $0x38  }
0x13: {  	_ =	swait.ge [sflag:s8], $0x18700  }
0x14: {  	[sflag:s8] =	ssyncset.done $0x0  }
0x15: {  	s17 =	simm.s32 $0x50;
	[sflag:s8] =	ssyncadd.s32 $0xFFFE7900  }
0x16: {  	v5 =	vld [tilespmem:s17+$0xFFFFFFC0]  }
0x17: {  	v9 =	vld [tilespmem:s17+$0xFFFFFFF0]  }
0x18: {  	v10 =	vld [tilespmem:s17+$0xFFFFFFB0]  }
0x19: {  	v15 =	vld [tilespmem:s17+$0xFFFFFFE0]  }
0x1a: {  	v16 =	vld [tilespmem:s17+$0xFFFFFFD0]  }
0x1b: {  	v7 =	vld [tilespmem:s17+$0x10]  }
0x1c: {  	v12 =	vimm.f32 $-Inf;
	v8 =	vld [tilespmem:s17+$0x40]  }
0x1d: {  	v11 =	vmax.f32 v12, v5;
	v17 =	vmin.f32 v12, v5  }
0x1e: {  	s16 =	sand.u32 $0x3FFE0, s2;
	v18 =	vmax.f32 v12, v9;
	v14 =	vmin.f32 v12, v9;
	v9 =	vmin.f32 v12, v10  }
0x1f: {  	v23 =	vld [tilespmem:s16+$0x80];
	v25 =	vmax.f32 v12, v15;
	v15 =	vmin.f32 v12, v15;
	v22 =	vmin.f32 v12, v16  }
0x20: {  	v24 =	vmax.f32 v12, v10;
	v6 =	vmax.f32 v11, v7;
	v13 =	vmin.f32 v11, v7  }
0x21: {  	v5 =	vmax.f32 v18, v8;
	v11 =	vmin.f32 v18, v8;
	v8 =	vmax.f32 v12, v9  }
0x22: {  	v7 =	vld [tilespmem:s17+$0x20];
	v18 =	vmin.f32 v12, v9;
	v9 =	vmax.f32 v12, v16;
	v20 =	vmax.f32 v12, v17  }
0x23: {  	v17 =	vmin.f32 v12, v17;
	v27 =	vmax.f32 v12, v15;
	v15 =	vmin.f32 v12, v15  }
0x24: {  	v29 =	vmin.f32 v12, v14;
	v30 =	vmin.f32 v25, v23;
	v10 =	vmax.f32 v25, v23  }
0x25: {  	v23 =	vimm.f32 $-Inf;
	v16 =	vmax.f32 v12, v18;
	v19 =	vmax.f32 v12, v17  }
0x26: {  	v25 =	vld [tilespmem:s17+$0x0];
	v21 =	vmin.f32 v20, v13;
	v26 =	vmax.f32 v12, v15;
	v28 =	vmin.f32 v27, v30  }
0x27: {  	s18 =	simm.s32 $0x0;
	s16 =	simm.s32 $0x0;
	s17 =	simm.s32 $0xF0;
	v17 =	vimm.f32 $-Inf;
	v15 =	vimm.f32 $-Inf;
	v18 =	vmin.f32 v9, v7  }
.LBB2_2:
0x28: {  	v31 =	vld [tilespmem:s17+$0xFFFFFFC0];
	s16 =	sadd.s32 $0x2, s16;
	v32 =	vmax.f32 v12, v22;
	v23 =	vmax.f32 v23, v29;
	v29 =	vmax.f32 v27, v30;
	s18 =	sadd.s32 $0xA0, s18  }
0x29: {  	v14 =	vmax.f32 v17, v14;
	v26 =	vmax.f32 v26, v28;
	v27 =	vld [tilespmem:s17+$0x40];
	p0 =	slt.u32 s16, $0x4E0;
	v30 =	vmin.f32 v32, v18  }
0x2a: {  	v12 =	vmin.f32 v12, v22;
	v22 =	vmax.f32 v20, v13;
	s19 =	sand.u32 $0x3FFE0, s18;
	v17 =	vmax.f32 v14, v11;
	v28 =	vld [tilespmem:s17+$0x10]  }
0x2b: {  	v19 =	vmax.f32 v19, v21;
	v12 =	vmax.f32 v15, v12;
	v13 =	vld [tilespmem:s17+$0xFFFFFFF0];
	v20 =	vmin.f32 v24, v25  }
0x2c: {  	v15 =	vmax.f32 v12, v30;
	v24 =	vmax.f32 v24, v25;
	v33 =	vld [tilespmem:s17+$0xFFFFFFB0];
	v21 =	vmin.f32 v8, v20  }
0x2d: {  	v11 =	vmin.f32 v14, v11;
	v25 =	vmax.f32 v6, v31;
	v30 =	vld [tilespmem:s17+$0xFFFFFFE0];
	v16 =	vmax.f32 v16, v21  }
0x2e: {  	v12 =	vmax.f32 v32, v18;
	v23 =	vmax.f32 v23, v11;
	v21 =	vmin.f32 v6, v31;
	v31 =	vld [tilespmem:s17+$0xFFFFFFD0]  }
0x2f: {  	v32 =	vmax.f32 v9, v7;
	v18 =	vmax.f32 v8, v20;
	v6 =	vmax.f32 v25, v28  }
0x30: {  	v8 =	vmax.f32 v5, v13;
	v14 =	vmin.f32 v5, v13;
	v13 =	vmin.f32 v25, v28  }
0x31: {  	v9 =	vmin.f32 v24, v33;
	v7 =	vld [tilespmem:s17+$0x20];
	v5 =	vmax.f32 v8, v27;
	v11 =	vmin.f32 v8, v27  }
0x32: {  	v8 =	vmax.f32 v18, v9;
	v18 =	vmin.f32 v18, v9;
	v28 =	vld [tilespmem:s19+$0x80]  }
0x33: {  	v34 =	vmax.f32 v10, v30;
	v10 =	vmin.f32 v10, v30;
	v9 =	vmax.f32 v32, v31  }
.Ltmp0:
0x34: {  	v20 =	vmax.f32 v22, v21;
	v21 =	vmin.f32 v22, v21;
	v22 =	vmin.f32 v32, v31;
	(pc) =	sbr.rel @p0 .LBB2_2-.Ltmp0, $4  }
0x35: {  	v19 =	vmax.f32 v19, v21;
	v21 =	vmin.f32 v20, v13;
	v16 =	vmax.f32 v16, v18  }
0x36: {  	v27 =	vmax.f32 v29, v10;
	v10 =	vmin.f32 v29, v10;
	v18 =	vmin.f32 v9, v7  }
0x37: {  	v29 =	vmin.f32 v17, v14;
	v26 =	vmax.f32 v26, v10;
	v25 =	vld [tilespmem:s17+$0x0];
	v30 =	vmin.f32 v34, v28  }
0x38: {  	v24 =	vmax.f32 v24, v33;
	v10 =	vmax.f32 v34, v28;
	s17 =	sadd.s32 $0xA0, s17;
	v28 =	vmin.f32 v27, v30  }
0x39: {  	v31 =	vmax.f32 v12, v22;
	v23 =	vmax.f32 v23, v29  }
0x3a: {  	v27 =	vmax.f32 v27, v30;
	v14 =	vmax.f32 v17, v14;
	v26 =	vmax.f32 v26, v28  }
0x3b: {  	v57 =	vmin.f32 v12, v22;
	v13 =	vmax.f32 v20, v13;
	v19 =	vmax.f32 v19, v21  }
0x3c: {  	v7 =	vmax.f32 v9, v7;
	v56 =	vmin.f32 v31, v18;
	v58 =	vmax.f32 v14, v11  }
0x3d: {  	v12 =	vmax.f32 v15, v57;
	v62 =	vmin.f32 v14, v11;
	v63 =	vmax.f32 v31, v18  }
0x3e: {  	v12 =	vmax.f32 v12, v56;
	v11 =	vmax.f32 v23, v62;
	v59 =	vmin.f32 v24, v25  }
0x3f: {  	v60 =	vmax.f32 v24, v25;
	v61 =	vmin.f32 v8, v59;
	v18 =	vmax.f32 v8, v59  }
0x40: {  	v22 =	vmax.f32 v60, v6;
	v23 =	vmin.f32 v60, v6;
	v16 =	vmax.f32 v16, v61  }
0x41: {  	v15 =	vmax.f32 v18, v13;
	v8 =	vmin.f32 v18, v13;
	v24 =	vmax.f32 v16, v19  }
0x42: {  	v28 =	vmax.f32 v22, v7;
	v6 =	vmin.f32 v23, v15;
	v8 =	vmax.f32 v8, v24  }
0x43: {  	v7 =	vmin.f32 v22, v7;
	v25 =	vmax.f32 v23, v15;
	v6 =	vmax.f32 v6, v8  }
0x44: {  	v29 =	vmax.f32 v25, v63;
	v30 =	vmin.f32 v25, v63;
	v6 =	vmax.f32 v6, v12  }
0x45: {  	v31 =	vmax.f32 v7, v29;
	v7 =	vmin.f32 v7, v29;
	v6 =	vmax.f32 v30, v6  }
0x46: {  	v32 =	vmax.f32 v28, v10;
	v8 =	vmin.f32 v28, v10;
	v6 =	vmax.f32 v7, v6  }
0x47: {  	v33 =	vmax.f32 v31, v27;
	v34 =	vmin.f32 v31, v27;
	v6 =	vmax.f32 v6, v26  }
0x48: {  	v35 =	vmax.f32 v8, v33;
	v8 =	vmin.f32 v8, v33;
	v6 =	vmax.f32 v34, v6  }
0x49: {  	v36 =	vmax.f32 v32, v5;
	v5 =	vmin.f32 v32, v5;
	v6 =	vmax.f32 v8, v6  }
0x4a: {  	v37 =	vmax.f32 v35, v58;
	v38 =	vmin.f32 v35, v58;
	v6 =	vmax.f32 v6, v11  }
0x4b: {  	[tilespmem:$0x18780] =	vst v36;
	v39 =	vmax.f32 v5, v37;
	v5 =	vmin.f32 v5, v37;
	v6 =	vmax.f32 v38, v6  }
0x4c: {  	[tilespmem:$0x18800] =	vst v39;
	v5 =	vmax.f32 v5, v6  }
0x4d: {  	[tilespmem:$0x18880] =	vst v5  }
0x4e: {  	v40 =	vld.idx.msk [tilespmem:v0+s11+$0x0], $0xffff  }
0x4f: {  	v41 =	vld.idx.msk [tilespmem:v0+s12+$0x0], $0xffff  }
0x50: {  	v42 =	vld.idx.msk [tilespmem:v0+s13+$0x0], $0xffff;
	_ =	sdelay $0x3  }
0x51: {  	v43 =	vmax.f32 v36, v40;
	v6 =	vmin.f32 v36, v40  }
0x52: {  	v44 =	vmax.f32 v39, v41;
	v7 =	vmin.f32 v39, v41;
	v5 =	vmax.f32 v5, v42  }
0x53: {  	v45 =	vmax.f32 v6, v44;
	v6 =	vmin.f32 v6, v44;
	v5 =	vmax.f32 v7, v5;
	[tilespmem:$0x18780] =	vst v43  }
0x54: {  	v5 =	vmax.f32 v6, v5;
	[tilespmem:$0x18800] =	vst v45  }
0x55: {  	[tilespmem:$0x18880] =	vst v5  }
0x56: {  	v46 =	vld.idx.msk [tilespmem:v1+s11+$0x0], $0xffff  }
0x57: {  	v47 =	vld.idx.msk [tilespmem:v1+s12+$0x0], $0xffff  }
0x58: {  	v48 =	vld.idx.msk [tilespmem:v1+s13+$0x0], $0xffff;
	_ =	sdelay $0x3  }
0x59: {  	v49 =	vmax.f32 v43, v46;
	v6 =	vmin.f32 v43, v46  }
0x5a: {  	v50 =	vmax.f32 v45, v47;
	v7 =	vmin.f32 v45, v47;
	v5 =	vmax.f32 v5, v48  }
0x5b: {  	v51 =	vmax.f32 v6, v50;
	v6 =	vmin.f32 v6, v50;
	v5 =	vmax.f32 v7, v5;
	[tilespmem:$0x18780] =	vst v49  }
0x5c: {  	v5 =	vmax.f32 v6, v5;
	[tilespmem:$0x18800] =	vst v51  }
0x5d: {  	[tilespmem:$0x18880] =	vst v5  }
0x5e: {  	v52 =	vld.idx.msk [tilespmem:v2+s11+$0x0], $0xffff  }
0x5f: {  	v53 =	vld.idx.msk [tilespmem:v2+s12+$0x0], $0xffff  }
0x60: {  	v54 =	vld.idx.msk [tilespmem:v2+s13+$0x0], $0xffff;
	_ =	sdelay $0x3  }
0x61: {  	v55 =	vmax.f32 v49, v52;
	v6 =	vmin.f32 v49, v52  }
0x62: {  	v56 =	vmax.f32 v51, v53;
	v7 =	vmin.f32 v51, v53;
	v5 =	vmax.f32 v5, v54  }
0x63: {  	v57 =	vmax.f32 v6, v56;
	v6 =	vmin.f32 v6, v56;
	v5 =	vmax.f32 v7, v5;
	[tilespmem:$0x18780] =	vst v55  }
0x64: {  	v5 =	vmax.f32 v6, v5;
	[tilespmem:$0x18800] =	vst v57  }
0x65: {  	[tilespmem:$0x18880] =	vst v5  }
0x66: {  	v58 =	vld.idx.msk [tilespmem:v3+s11+$0x0], $0xffff  }
0x67: {  	v59 =	vld.idx.msk [tilespmem:v3+s12+$0x0], $0xffff  }
0x68: {  	v60 =	vld.idx.msk [tilespmem:v3+s13+$0x0], $0xffff;
	_ =	sdelay $0x3  }
0x69: {  	v61 =	vmin.f32 v55, v58  }
0x6a: {  	v62 =	vmax.f32 v57, v59;
	v7 =	vmin.f32 v57, v59;
	v5 =	vmax.f32 v5, v60  }
0x6b: {  	v63 =	vmin.f32 v61, v62;
	v5 =	vmax.f32 v7, v5  }
0x6c: {  	v6 =	vmax.f32 v55, v58;
	v5 =	vmax.f32 v63, v5  }
0x6d: {  	v5 =	vsub.f32 v6, v5;
	_ =	sdelay $0x1  }
0x6e: {  	v4 =	vld.idx.msk [tilespmem:v4+s2+$0x0], $0xffff;
	v5 =	vadd.f32 $9.999999960e-13, v5;
	_ =	sdelay $0x1  }
0x6f: {  	(erf) = vrcp.f32 v5;
	_ =	sdelay $0x1  }
0x70: {  	v5 =	vmax.f32 v61, v62  }
0x71: {  	vm1 =	veq.f32 v4, v6;
	vm2 =	vlt.f32 v5, v6  }
0x72: {  	vm1 =	vmand vm1, vm2  }
0x73: {  	v5 =	vsel vm1, v5, v6  }
0x74: {  	v4 =	vsub.f32 v5, v4;
	_ =	sdelay $0x1  }
0x75: {  	v4 =	vadd.f32 $0.0e+00, v4  }
0x76: {  	v5 =	vpop (erf)  }
0x77: {  	v4 =	vmul.f32 v5, v4  }
0x78: {  	s15 =	sadd.s32 $0x1, s15  }
0x79: {  	p0 =	sne.s32 s15, s6;
	v4 =	vnsel vm0, $0x0, v4  }
.Ltmp1:
0x7a: {  	[tilespmem:$0x18900] =	vst v4;
	(pc) =	sbr.rel @p0 .LBB2_1-.Ltmp1, $4  }
0x7b: {  	[hbm4b:s5+s2] =	stream.linear.scatter [tilespmem:s14], [sflag:$0x1], $0x80, $0x38;
	[tilespmem:$0x18980] =	vst v63  }
0x7c: {  	_ =	swait.ge [sflag:s8], $0x80  }
0x7d: {  	[sflag:s8] =	ssyncset.done $0x0  }
0x7e: {  	[sflag:s8] =	ssyncadd.s32 $0xFFFFFF80  }
0x7f: {  	_ =	sfence.sel $0x180000  }
0x80: {  	[bflag:$0x0] =	sbarrier.arrive $0xFFFF  }
0x81: {  	p0 =	sne.s32 s1, $0x0;
	_ =	strace $0x90000047  }
0x82: {  	s0 =	sadd.s32 @!p0 $0x100000, s0;
	[bflag:$0x2] =	sbarrier.arrive $0xFFFF  }
0x83: {  	[sflag:s0] =	ssyncadd.tile.s32 @!p0 $0x1;
	_ =	shalt  }
.Lfunc_end2:
_tile_overlayer_lowered:
.L_overlay_start_2:
0x84: {  	(tag) =	ssettag $0x2  }
0x85: {  	s0 =	rddreg [dreg:$0x0];
	s2 =	stileid.u32  }
0x86: {  	s1 =	rddreg [dreg:$0x1];
	p0 =	sne.s32 s2, $0x0  }
0x87: {  	s3 =	rddreg [dreg:$0x2];
	[bflag:$0x3] =	sbarrier.arrive $0xFFFF;
	s2 =	simm.s32 @!p0 $0x1C01  }
0x88: {  	[timem:s3], [sflag:s2] =	dma.local @!p0 [hbm:s0], s1  }
0x89: {  	s0 =	simm.s32 @!p0 $0x1  }
0x8a: {  	_ =	swait.ge @!p0 [sflag:s0], s1  }
0x8b: {  	s1 =	ssub.s32 @!p0 $0x0, s1;
	[sflag:s0] =	ssyncset.done @!p0 $0x0  }
0x8c: {  	[sflag:s0] =	ssyncadd.s32 @!p0 s1  }
0x8d: {  	[bflag:$0x3] =	sbarrier.arrive $0xFFFF  }
0x8e: {  	_ =	shalt  }

</sc_bundles>
